<compile_context>
chip_gen: v7x
topology: tpu7x:2x2x1
jax: 0.10.2.dev20260603
libtpu: 0.0.44.dev20260713+nightly
codegen_flags: <defaults>
</compile_context>

<pallas_src>
import functools

import jax
import jax.numpy as jnp
from jax import lax
from jax.experimental import pallas as pl
from jax.experimental.pallas import tpu as pltpu
from jax.experimental.pallas import tpu_sc as plsc

_B = 4
_L = 8192
_EMB = 64
_PAD = 128
_ROWS = _B * _L
_NW = 16
_CHUNK = _ROWS // _NW
_GCH = 128
_QROWS = 256
_NQ = _CHUNK // _QROWS


def _sc_gather(idx2d, tok_pad):
    mesh = plsc.VectorSubcoreMesh(
        core_axis_name="c", subcore_axis_name="s", num_cores=1
    )

    @functools.partial(
        pl.kernel,
        mesh=mesh,
        out_type=jax.ShapeDtypeStruct((_ROWS, _EMB), jnp.float32),
        scratch_types=[
            pltpu.VMEM((_CHUNK // _GCH, _GCH), jnp.int32),
            pltpu.VMEM((_QROWS, _PAD), jnp.float32),
            pltpu.VMEM((_QROWS, _PAD), jnp.float32),
            pltpu.SemaphoreType.DMA,
            pltpu.SemaphoreType.DMA,
        ],
        compiler_params=pltpu.CompilerParams(use_tc_tiling_on_sc=False),
    )
    def k(idx_hbm, tok_hbm, out_hbm, idx_v, rows_a, rows_b, sem_a, sem_b):
        w = lax.axis_index("s")
        pltpu.sync_copy(idx_hbm.at[pl.ds(w * (_CHUNK // _GCH), _CHUNK // _GCH)], idx_v)
        bufs = (rows_a, rows_b)
        sems = (sem_a, sem_b)

        def fire(q):
            buf, sem = bufs[q % 2], sems[q % 2]
            return [
                pltpu.async_copy(
                    tok_hbm.at[idx_v.at[q * 2 + h]],
                    buf.at[pl.ds(h * _GCH, _GCH)],
                    sem,
                )
                for h in range(_QROWS // _GCH)
            ]

        def drain(q, cps):
            for cp in cps:
                cp.wait()
            pltpu.sync_copy(
                bufs[q % 2].at[:, pl.ds(0, _EMB)],
                out_hbm.at[pl.ds(w * _CHUNK + q * _QROWS, _QROWS)],
            )

        pending = fire(0)
        for q in range(_NQ):
            nxt = fire(q + 1) if q + 1 < _NQ else None
            drain(q, pending)
            pending = nxt

    return k(idx2d, tok_pad)


def kernel(inputs, token_table, pos_table):
    tok_pad = jnp.pad(token_table, ((0, 0), (0, _PAD - _EMB)))
    idx2d = inputs.reshape(_ROWS // _GCH, _GCH).astype(jnp.int32)
    gathered = _sc_gather(idx2d, tok_pad)
    return gathered.reshape(_B, _L, _EMB) + pos_table[None, :, :]

# --- scband reference (transcript-rebuilt; emitter-appended) ---
"""Pipeline reference for scband-token-and-position-embedding-27822798144087 (READ-ONLY COPY).

The authoritative reference and input builder live on the scoring server;
editing this copy changes nothing except your own understanding.
"""

import jax, jax.numpy as jnp
import numpy as np

VOCAB = 1000000
SEQ_LEN = 8192
EMB = 64
BATCH = 4

def setup_inputs(seed: int = 0) -> dict:
    key = jax.random.key(seed)
    k1, k2, k3 = jax.random.split(key, 3)
    inputs = jax.random.randint(k1, (BATCH, SEQ_LEN), 0, VOCAB, dtype=jnp.int64 if jax.config.jax_enable_x64 else jnp.int32)
    # glorot_uniform-style init for embedding tables
    limit_tok = np.sqrt(6.0 / (VOCAB + EMB))
    token_table = jax.random.uniform(k2, (VOCAB, EMB), dtype=jnp.float32, minval=-limit_tok, maxval=limit_tok)
    limit_pos = np.sqrt(6.0 / (SEQ_LEN + EMB))
    pos_table = jax.random.uniform(k3, (SEQ_LEN, EMB), dtype=jnp.float32, minval=-limit_pos, maxval=limit_pos)
    return {"inputs": inputs, "token_table": token_table, "pos_table": pos_table}

def reference(inputs, token_table, pos_table):
    # maxlen = inputs.shape[-1]; positions = range(maxlen)
    maxlen = inputs.shape[-1]
    positions = jnp.arange(maxlen)
    pos = jnp.take(pos_table, positions, axis=0)          # [L, EMB]
    x = jnp.take(token_table, inputs, axis=0)             # [B, L, EMB]
    return x + pos[None, :, :]

if __name__ == "__main__":
    import jax
    _d = setup_inputs()
    print(jax.jit(kernel)(*tuple(_d.values())))

</pallas_src>

<mosaic_0001>
#map = affine_map<(d0, d1) -> (0, 0)>
module attributes {stable_mosaic.version = 14 : i64} {
  func.func @k(%arg0: i32, %arg1: i32, %arg2: memref<256x128xi32, #tpu.memory_space<hbm>>, %arg3: memref<1000000x128xf32, #tpu.memory_space<hbm>>, %arg4: memref<32768x64xf32, #tpu.memory_space<hbm>>, %arg5: memref<16x128xi32, #tpu.memory_space<vmem>>, %arg6: memref<256x128xf32, #tpu.memory_space<vmem>>, %arg7: memref<256x128xf32, #tpu.memory_space<vmem>>, %arg8: memref<!tpu.dma_semaphore, #tpu.memory_space<semaphore_mem>>, %arg9: memref<!tpu.dma_semaphore, #tpu.memory_space<semaphore_mem>>) attributes {dimension_semantics = [#tpu.dimension_semantics<core_parallel>, #tpu.dimension_semantics<subcore_parallel>], iteration_bounds = array<i64: 1, 16>, scalar_prefetch = 0 : i64, scratch_operands = 5 : i64, tpu.core_type = #tpu.core_type<sc_vector_subcore>, window_params = [{transform_indices = #map}, {transform_indices = #map}, {transform_indices = #map}]} {
    %mul3A = arith.constant 16 : i32
    %mul3A_0 = arith.muli %arg1, %mul3A : i32
    "tpu.region"() ({
      %run_scoped3A = tpu.sem_alloc : memref<!tpu.dma_semaphore, #tpu.memory_space<semaphore_mem>>
      %dma_start3A_350 = arith.constant 0 : i32
      %dma_start3A_351 = tpu.memref_slice %arg2[%mul3A_0, %dma_start3A_350] : memref<256x128xi32, #tpu.memory_space<hbm>> -> memref<16x128xi32, #tpu.memory_space<hbm>>
      %dma_start3A_352 = arith.constant 0 : i32
      %dma_start3A_353 = tpu.memref_slice %arg2[%mul3A_0, %dma_start3A_352] : memref<256x128xi32, #tpu.memory_space<hbm>> -> memref<16x128xi32, #tpu.memory_space<hbm>>
      tpu.enqueue_dma source(%dma_start3A_353 : memref<16x128xi32, #tpu.memory_space<hbm>>) target(%arg5 : memref<16x128xi32, #tpu.memory_space<vmem>>) target_semaphore(%run_scoped3A : memref<!tpu.dma_semaphore, #tpu.memory_space<semaphore_mem>>)
      %dma_wait3A_354 = arith.constant 0 : i32
      %dma_wait3A_355 = tpu.memref_slice %arg2[%mul3A_0, %dma_wait3A_354] : memref<256x128xi32, #tpu.memory_space<hbm>> -> memref<16x128xi32, #tpu.memory_space<hbm>>
      %dma_wait3A_356 = arith.constant 0 : i32
      %dma_wait3A_357 = tpu.memref_slice %arg2[%mul3A_0, %dma_wait3A_356] : memref<256x128xi32, #tpu.memory_space<hbm>> -> memref<16x128xi32, #tpu.memory_space<hbm>>
      tpu.wait_dma2 semaphore(%run_scoped3A : memref<!tpu.dma_semaphore, #tpu.memory_space<semaphore_mem>>) src(%dma_wait3A_357 : memref<16x128xi32, #tpu.memory_space<hbm>>) dst(%arg5 : memref<16x128xi32, #tpu.memory_space<vmem>>)
      tpu.yield
    }) : () -> ()
    %dma_start3A = arith.constant 0 : i32
    %dma_start3A_1 = arith.constant 0 : i32
    %dma_start3A_2 = arith.constant 0 : i32
    %dma_start3A_3 = tpu.memref_slice %arg6[%dma_start3A_1, %dma_start3A_2] : memref<256x128xf32, #tpu.memory_space<vmem>> -> memref<128x128xf32, #tpu.memory_space<vmem>>
    %dma_start3A_4 = arith.constant 0 : i32
    %dma_start3A_5 = tpu.memref_slice %arg5[%dma_start3A, %dma_start3A_4] : memref<16x128xi32, #tpu.memory_space<vmem>> -> memref<1x128xi32, #tpu.memory_space<vmem>>
    %dma_start3A_6 = tpu.memref_squeeze %dma_start3A_5 : memref<1x128xi32, #tpu.memory_space<vmem>> -> memref<128xi32, #tpu.memory_space<vmem>>
    %dma_start3A_7 = arith.constant 0 : i32
    %dma_start3A_8 = arith.constant 0 : i32
    %dma_start3A_9 = tpu.memref_slice %arg3[%dma_start3A_7, %dma_start3A_8] : memref<1000000x128xf32, #tpu.memory_space<hbm>> -> memref<1000000x128xf32, #tpu.memory_space<hbm>>
    tpu.enqueue_indirect_dma source(%dma_start3A_9 : memref<1000000x128xf32, #tpu.memory_space<hbm>>) target(%dma_start3A_3 : memref<128x128xf32, #tpu.memory_space<vmem>>) offsets(%dma_start3A_6 : memref<128xi32, #tpu.memory_space<vmem>>) semaphore(%arg8 : memref<!tpu.dma_semaphore, #tpu.memory_space<semaphore_mem>>)
    %dma_start3A_10 = arith.constant 1 : i32
    %dma_start3A_11 = arith.constant 128 : i32
    %dma_start3A_12 = arith.constant 0 : i32
    %dma_start3A_13 = tpu.memref_slice %arg6[%dma_start3A_11, %dma_start3A_12] : memref<256x128xf32, #tpu.memory_space<vmem>> -> memref<128x128xf32, #tpu.memory_space<vmem>>
    %dma_start3A_14 = arith.constant 0 : i32
    %dma_start3A_15 = tpu.memref_slice %arg5[%dma_start3A_10, %dma_start3A_14] : memref<16x128xi32, #tpu.memory_space<vmem>> -> memref<1x128xi32, #tpu.memory_space<vmem>>
    %dma_start3A_16 = tpu.memref_squeeze %dma_start3A_15 : memref<1x128xi32, #tpu.memory_space<vmem>> -> memref<128xi32, #tpu.memory_space<vmem>>
    %dma_start3A_17 = arith.constant 0 : i32
    %dma_start3A_18 = arith.constant 0 : i32
    %dma_start3A_19 = tpu.memref_slice %arg3[%dma_start3A_17, %dma_start3A_18] : memref<1000000x128xf32, #tpu.memory_space<hbm>> -> memref<1000000x128xf32, #tpu.memory_space<hbm>>
    tpu.enqueue_indirect_dma source(%dma_start3A_19 : memref<1000000x128xf32, #tpu.memory_space<hbm>>) target(%dma_start3A_13 : memref<128x128xf32, #tpu.memory_space<vmem>>) offsets(%dma_start3A_16 : memref<128xi32, #tpu.memory_space<vmem>>) semaphore(%arg8 : memref<!tpu.dma_semaphore, #tpu.memory_space<semaphore_mem>>)
    %dma_start3A_20 = arith.constant 2 : i32
    %dma_start3A_21 = arith.constant 0 : i32
    %dma_start3A_22 = arith.constant 0 : i32
    %dma_start3A_23 = tpu.memref_slice %arg7[%dma_start3A_21, %dma_start3A_22] : memref<256x128xf32, #tpu.memory_space<vmem>> -> memref<128x128xf32, #tpu.memory_space<vmem>>
    %dma_start3A_24 = arith.constant 0 : i32
    %dma_start3A_25 = tpu.memref_slice %arg5[%dma_start3A_20, %dma_start3A_24] : memref<16x128xi32, #tpu.memory_space<vmem>> -> memref<1x128xi32, #tpu.memory_space<vmem>>
    %dma_start3A_26 = tpu.memref_squeeze %dma_start3A_25 : memref<1x128xi32, #tpu.memory_space<vmem>> -> memref<128xi32, #tpu.memory_space<vmem>>
    %dma_start3A_27 = arith.constant 0 : i32
    %dma_start3A_28 = arith.constant 0 : i32
    %dma_start3A_29 = tpu.memref_slice %arg3[%dma_start3A_27, %dma_start3A_28] : memref<1000000x128xf32, #tpu.memory_space<hbm>> -> memref<1000000x128xf32, #tpu.memory_space<hbm>>
    tpu.enqueue_indirect_dma source(%dma_start3A_29 : memref<1000000x128xf32, #tpu.memory_space<hbm>>) target(%dma_start3A_23 : memref<128x128xf32, #tpu.memory_space<vmem>>) offsets(%dma_start3A_26 : memref<128xi32, #tpu.memory_space<vmem>>) semaphore(%arg9 : memref<!tpu.dma_semaphore, #tpu.memory_space<semaphore_mem>>)
    %dma_start3A_30 = arith.constant 3 : i32
    %dma_start3A_31 = arith.constant 128 : i32
    %dma_start3A_32 = arith.constant 0 : i32
    %dma_start3A_33 = tpu.memref_slice %arg7[%dma_start3A_31, %dma_start3A_32] : memref<256x128xf32, #tpu.memory_space<vmem>> -> memref<128x128xf32, #tpu.memory_space<vmem>>
    %dma_start3A_34 = arith.constant 0 : i32
    %dma_start3A_35 = tpu.memref_slice %arg5[%dma_start3A_30, %dma_start3A_34] : memref<16x128xi32, #tpu.memory_space<vmem>> -> memref<1x128xi32, #tpu.memory_space<vmem>>
    %dma_start3A_36 = tpu.memref_squeeze %dma_start3A_35 : memref<1x128xi32, #tpu.memory_space<vmem>> -> memref<128xi32, #tpu.memory_space<vmem>>
    %dma_start3A_37 = arith.constant 0 : i32
    %dma_start3A_38 = arith.constant 0 : i32
    %dma_start3A_39 = tpu.memref_slice %arg3[%dma_start3A_37, %dma_start3A_38] : memref<1000000x128xf32, #tpu.memory_space<hbm>> -> memref<1000000x128xf32, #tpu.memory_space<hbm>>
    tpu.enqueue_indirect_dma source(%dma_start3A_39 : memref<1000000x128xf32, #tpu.memory_space<hbm>>) target(%dma_start3A_33 : memref<128x128xf32, #tpu.memory_space<vmem>>) offsets(%dma_start3A_36 : memref<128xi32, #tpu.memory_space<vmem>>) semaphore(%arg9 : memref<!tpu.dma_semaphore, #tpu.memory_space<semaphore_mem>>)
    %dma_wait3A = arith.constant 0 : i32
    %dma_wait3A_40 = arith.constant 0 : i32
    %dma_wait3A_41 = arith.constant 0 : i32
    %dma_wait3A_42 = tpu.memref_slice %arg6[%dma_wait3A_40, %dma_wait3A_41] : memref<256x128xf32, #tpu.memory_space<vmem>> -> memref<128x128xf32, #tpu.memory_space<vmem>>
    %dma_wait3A_43 = arith.constant 0 : i32
    %dma_wait3A_44 = tpu.memref_slice %arg5[%dma_wait3A, %dma_wait3A_43] : memref<16x128xi32, #tpu.memory_space<vmem>> -> memref<1x128xi32, #tpu.memory_space<vmem>>
    %dma_wait3A_45 = tpu.memref_squeeze %dma_wait3A_44 : memref<1x128xi32, #tpu.memory_space<vmem>> -> memref<128xi32, #tpu.memory_space<vmem>>
    %dma_wait3A_46 = arith.constant 0 : i32
    %dma_wait3A_47 = arith.constant 0 : i32
    %dma_wait3A_48 = tpu.memref_slice %arg3[%dma_wait3A_46, %dma_wait3A_47] : memref<1000000x128xf32, #tpu.memory_space<hbm>> -> memref<1000000x128xf32, #tpu.memory_space<hbm>>
    tpu.wait_indirect_dma semaphore(%arg8 : memref<!tpu.dma_semaphore, #tpu.memory_space<semaphore_mem>>) src(%dma_wait3A_48 : memref<1000000x128xf32, #tpu.memory_space<hbm>>) dst(%dma_wait3A_42 : memref<128x128xf32, #tpu.memory_space<vmem>>)
    %dma_wait3A_49 = arith.constant 1 : i32
    %dma_wait3A_50 = arith.constant 128 : i32
    %dma_wait3A_51 = arith.constant 0 : i32
    %dma_wait3A_52 = tpu.memref_slice %arg6[%dma_wait3A_50, %dma_wait3A_51] : memref<256x128xf32, #tpu.memory_space<vmem>> -> memref<128x128xf32, #tpu.memory_space<vmem>>
    %dma_wait3A_53 = arith.constant 0 : i32
    %dma_wait3A_54 = tpu.memref_slice %arg5[%dma_wait3A_49, %dma_wait3A_53] : memref<16x128xi32, #tpu.memory_space<vmem>> -> memref<1x128xi32, #tpu.memory_space<vmem>>
    %dma_wait3A_55 = tpu.memref_squeeze %dma_wait3A_54 : memref<1x128xi32, #tpu.memory_space<vmem>> -> memref<128xi32, #tpu.memory_space<vmem>>
    %dma_wait3A_56 = arith.constant 0 : i32
    %dma_wait3A_57 = arith.constant 0 : i32
    %dma_wait3A_58 = tpu.memref_slice %arg3[%dma_wait3A_56, %dma_wait3A_57] : memref<1000000x128xf32, #tpu.memory_space<hbm>> -> memref<1000000x128xf32, #tpu.memory_space<hbm>>
    tpu.wait_indirect_dma semaphore(%arg8 : memref<!tpu.dma_semaphore, #tpu.memory_space<semaphore_mem>>) src(%dma_wait3A_58 : memref<1000000x128xf32, #tpu.memory_space<hbm>>) dst(%dma_wait3A_52 : memref<128x128xf32, #tpu.memory_space<vmem>>)
    %mul3A_59 = arith.constant 2048 : i32
    %mul3A_60 = arith.muli %arg1, %mul3A_59 : i32
    %add3A = arith.constant 0 : i32
    %add3A_61 = arith.addi %mul3A_60, %add3A : i32
    "tpu.region"() ({
      %run_scoped3A = tpu.sem_alloc : memref<!tpu.dma_semaphore, #tpu.memory_space<semaphore_mem>>
      %dma_start3A_350 = arith.constant 0 : i32
      %dma_start3A_351 = arith.constant 0 : i32
      %dma_start3A_352 = tpu.memref_slice %arg6[%dma_start3A_350, %dma_start3A_351] : memref<256x128xf32, #tpu.memory_space<vmem>> -> memref<256x64xf32, #tpu.memory_space<vmem>>
      %dma_start3A_353 = arith.constant 0 : i32
      %dma_start3A_354 = tpu.memref_slice %arg4[%add3A_61, %dma_start3A_353] : memref<32768x64xf32, #tpu.memory_space<hbm>> -> memref<256x64xf32, #tpu.memory_space<hbm>>
      %dma_start3A_355 = arith.constant 0 : i32
      %dma_start3A_356 = tpu.memref_slice %arg4[%add3A_61, %dma_start3A_355] : memref<32768x64xf32, #tpu.memory_space<hbm>> -> memref<256x64xf32, #tpu.memory_space<hbm>>
      %dma_start3A_357 = arith.constant 0 : i32
      %dma_start3A_358 = arith.constant 0 : i32
      %dma_start3A_359 = tpu.memref_slice %arg6[%dma_start3A_357, %dma_start3A_358] : memref<256x128xf32, #tpu.memory_space<vmem>> -> memref<256x64xf32, #tpu.memory_space<vmem>>
      tpu.enqueue_dma source(%dma_start3A_359 : memref<256x64xf32, #tpu.memory_space<vmem>>) target(%dma_start3A_356 : memref<256x64xf32, #tpu.memory_space<hbm>>) target_semaphore(%run_scoped3A : memref<!tpu.dma_semaphore, #tpu.memory_space<semaphore_mem>>)
      %dma_wait3A_360 = arith.constant 0 : i32
      %dma_wait3A_361 = arith.constant 0 : i32
      %dma_wait3A_362 = tpu.memref_slice %arg6[%dma_wait3A_360, %dma_wait3A_361] : memref<256x128xf32, #tpu.memory_space<vmem>> -> memref<256x64xf32, #tpu.memory_space<vmem>>
      %dma_wait3A_363 = arith.constant 0 : i32
      %dma_wait3A_364 = tpu.memref_slice %arg4[%add3A_61, %dma_wait3A_363] : memref<32768x64xf32, #tpu.memory_space<hbm>> -> memref<256x64xf32, #tpu.memory_space<hbm>>
      %dma_wait3A_365 = arith.constant 0 : i32
      %dma_wait3A_366 = tpu.memref_slice %arg4[%add3A_61, %dma_wait3A_365] : memref<32768x64xf32, #tpu.memory_space<hbm>> -> memref<256x64xf32, #tpu.memory_space<hbm>>
      %dma_wait3A_367 = arith.constant 0 : i32
      %dma_wait3A_368 = arith.constant 0 : i32
      %dma_wait3A_369 = tpu.memref_slice %arg6[%dma_wait3A_367, %dma_wait3A_368] : memref<256x128xf32, #tpu.memory_space<vmem>> -> memref<256x64xf32, #tpu.memory_space<vmem>>
      tpu.wait_dma2 semaphore(%run_scoped3A : memref<!tpu.dma_semaphore, #tpu.memory_space<semaphore_mem>>) src(%dma_wait3A_369 : memref<256x64xf32, #tpu.memory_space<vmem>>) dst(%dma_wait3A_366 : memref<256x64xf32, #tpu.memory_space<hbm>>)
      tpu.yield
    }) : () -> ()
    %dma_start3A_62 = arith.constant 4 : i32
    %dma_start3A_63 = arith.constant 0 : i32
    %dma_start3A_64 = arith.constant 0 : i32
    %dma_start3A_65 = tpu.memref_slice %arg6[%dma_start3A_63, %dma_start3A_64] : memref<256x128xf32, #tpu.memory_space<vmem>> -> memref<128x128xf32, #tpu.memory_space<vmem>>
    %dma_start3A_66 = arith.constant 0 : i32
    %dma_start3A_67 = tpu.memref_slice %arg5[%dma_start3A_62, %dma_start3A_66] : memref<16x128xi32, #tpu.memory_space<vmem>> -> memref<1x128xi32, #tpu.memory_space<vmem>>
    %dma_start3A_68 = tpu.memref_squeeze %dma_start3A_67 : memref<1x128xi32, #tpu.memory_space<vmem>> -> memref<128xi32, #tpu.memory_space<vmem>>
    %dma_start3A_69 = arith.constant 0 : i32
    %dma_start3A_70 = arith.constant 0 : i32
    %dma_start3A_71 = tpu.memref_slice %arg3[%dma_start3A_69, %dma_start3A_70] : memref<1000000x128xf32, #tpu.memory_space<hbm>> -> memref<1000000x128xf32, #tpu.memory_space<hbm>>
    tpu.enqueue_indirect_dma source(%dma_start3A_71 : memref<1000000x128xf32, #tpu.memory_space<hbm>>) target(%dma_start3A_65 : memref<128x128xf32, #tpu.memory_space<vmem>>) offsets(%dma_start3A_68 : memref<128xi32, #tpu.memory_space<vmem>>) semaphore(%arg8 : memref<!tpu.dma_semaphore, #tpu.memory_space<semaphore_mem>>)
    %dma_start3A_72 = arith.constant 5 : i32
    %dma_start3A_73 = arith.constant 128 : i32
    %dma_start3A_74 = arith.constant 0 : i32
    %dma_start3A_75 = tpu.memref_slice %arg6[%dma_start3A_73, %dma_start3A_74] : memref<256x128xf32, #tpu.memory_space<vmem>> -> memref<128x128xf32, #tpu.memory_space<vmem>>
    %dma_start3A_76 = arith.constant 0 : i32
    %dma_start3A_77 = tpu.memref_slice %arg5[%dma_start3A_72, %dma_start3A_76] : memref<16x128xi32, #tpu.memory_space<vmem>> -> memref<1x128xi32, #tpu.memory_space<vmem>>
    %dma_start3A_78 = tpu.memref_squeeze %dma_start3A_77 : memref<1x128xi32, #tpu.memory_space<vmem>> -> memref<128xi32, #tpu.memory_space<vmem>>
    %dma_start3A_79 = arith.constant 0 : i32
    %dma_start3A_80 = arith.constant 0 : i32
    %dma_start3A_81 = tpu.memref_slice %arg3[%dma_start3A_79, %dma_start3A_80] : memref<1000000x128xf32, #tpu.memory_space<hbm>> -> memref<1000000x128xf32, #tpu.memory_space<hbm>>
    tpu.enqueue_indirect_dma source(%dma_start3A_81 : memref<1000000x128xf32, #tpu.memory_space<hbm>>) target(%dma_start3A_75 : memref<128x128xf32, #tpu.memory_space<vmem>>) offsets(%dma_start3A_78 : memref<128xi32, #tpu.memory_space<vmem>>) semaphore(%arg8 : memref<!tpu.dma_semaphore, #tpu.memory_space<semaphore_mem>>)
    %dma_wait3A_82 = arith.constant 2 : i32
    %dma_wait3A_83 = arith.constant 0 : i32
    %dma_wait3A_84 = arith.constant 0 : i32
    %dma_wait3A_85 = tpu.memref_slice %arg7[%dma_wait3A_83, %dma_wait3A_84] : memref<256x128xf32, #tpu.memory_space<vmem>> -> memref<128x128xf32, #tpu.memory_space<vmem>>
    %dma_wait3A_86 = arith.constant 0 : i32
    %dma_wait3A_87 = tpu.memref_slice %arg5[%dma_wait3A_82, %dma_wait3A_86] : memref<16x128xi32, #tpu.memory_space<vmem>> -> memref<1x128xi32, #tpu.memory_space<vmem>>
    %dma_wait3A_88 = tpu.memref_squeeze %dma_wait3A_87 : memref<1x128xi32, #tpu.memory_space<vmem>> -> memref<128xi32, #tpu.memory_space<vmem>>
    %dma_wait3A_89 = arith.constant 0 : i32
    %dma_wait3A_90 = arith.constant 0 : i32
    %dma_wait3A_91 = tpu.memref_slice %arg3[%dma_wait3A_89, %dma_wait3A_90] : memref<1000000x128xf32, #tpu.memory_space<hbm>> -> memref<1000000x128xf32, #tpu.memory_space<hbm>>
    tpu.wait_indirect_dma semaphore(%arg9 : memref<!tpu.dma_semaphore, #tpu.memory_space<semaphore_mem>>) src(%dma_wait3A_91 : memref<1000000x128xf32, #tpu.memory_space<hbm>>) dst(%dma_wait3A_85 : memref<128x128xf32, #tpu.memory_space<vmem>>)
    %dma_wait3A_92 = arith.constant 3 : i32
    %dma_wait3A_93 = arith.constant 128 : i32
    %dma_wait3A_94 = arith.constant 0 : i32
    %dma_wait3A_95 = tpu.memref_slice %arg7[%dma_wait3A_93, %dma_wait3A_94] : memref<256x128xf32, #tpu.memory_space<vmem>> -> memref<128x128xf32, #tpu.memory_space<vmem>>
    %dma_wait3A_96 = arith.constant 0 : i32
    %dma_wait3A_97 = tpu.memref_slice %arg5[%dma_wait3A_92, %dma_wait3A_96] : memref<16x128xi32, #tpu.memory_space<vmem>> -> memref<1x128xi32, #tpu.memory_space<vmem>>
    %dma_wait3A_98 = tpu.memref_squeeze %dma_wait3A_97 : memref<1x128xi32, #tpu.memory_space<vmem>> -> memref<128xi32, #tpu.memory_space<vmem>>
    %dma_wait3A_99 = arith.constant 0 : i32
    %dma_wait3A_100 = arith.constant 0 : i32
    %dma_wait3A_101 = tpu.memref_slice %arg3[%dma_wait3A_99, %dma_wait3A_100] : memref<1000000x128xf32, #tpu.memory_space<hbm>> -> memref<1000000x128xf32, #tpu.memory_space<hbm>>
    tpu.wait_indirect_dma semaphore(%arg9 : memref<!tpu.dma_semaphore, #tpu.memory_space<semaphore_mem>>) src(%dma_wait3A_101 : memref<1000000x128xf32, #tpu.memory_space<hbm>>) dst(%dma_wait3A_95 : memref<128x128xf32, #tpu.memory_space<vmem>>)
    %mul3A_102 = arith.constant 2048 : i32
    %mul3A_103 = arith.muli %arg1, %mul3A_102 : i32
    %add3A_104 = arith.constant 256 : i32
    %add3A_105 = arith.addi %mul3A_103, %add3A_104 : i32
    "tpu.region"() ({
      %run_scoped3A = tpu.sem_alloc : memref<!tpu.dma_semaphore, #tpu.memory_space<semaphore_mem>>
      %dma_start3A_350 = arith.constant 0 : i32
      %dma_start3A_351 = arith.constant 0 : i32
      %dma_start3A_352 = tpu.memref_slice %arg7[%dma_start3A_350, %dma_start3A_351] : memref<256x128xf32, #tpu.memory_space<vmem>> -> memref<256x64xf32, #tpu.memory_space<vmem>>
      %dma_start3A_353 = arith.constant 0 : i32
      %dma_start3A_354 = tpu.memref_slice %arg4[%add3A_105, %dma_start3A_353] : memref<32768x64xf32, #tpu.memory_space<hbm>> -> memref<256x64xf32, #tpu.memory_space<hbm>>
      %dma_start3A_355 = arith.constant 0 : i32
      %dma_start3A_356 = tpu.memref_slice %arg4[%add3A_105, %dma_start3A_355] : memref<32768x64xf32, #tpu.memory_space<hbm>> -> memref<256x64xf32, #tpu.memory_space<hbm>>
      %dma_start3A_357 = arith.constant 0 : i32
      %dma_start3A_358 = arith.constant 0 : i32
      %dma_start3A_359 = tpu.memref_slice %arg7[%dma_start3A_357, %dma_start3A_358] : memref<256x128xf32, #tpu.memory_space<vmem>> -> memref<256x64xf32, #tpu.memory_space<vmem>>
      tpu.enqueue_dma source(%dma_start3A_359 : memref<256x64xf32, #tpu.memory_space<vmem>>) target(%dma_start3A_356 : memref<256x64xf32, #tpu.memory_space<hbm>>) target_semaphore(%run_scoped3A : memref<!tpu.dma_semaphore, #tpu.memory_space<semaphore_mem>>)
      %dma_wait3A_360 = arith.constant 0 : i32
      %dma_wait3A_361 = arith.constant 0 : i32
      %dma_wait3A_362 = tpu.memref_slice %arg7[%dma_wait3A_360, %dma_wait3A_361] : memref<256x128xf32, #tpu.memory_space<vmem>> -> memref<256x64xf32, #tpu.memory_space<vmem>>
      %dma_wait3A_363 = arith.constant 0 : i32
      %dma_wait3A_364 = tpu.memref_slice %arg4[%add3A_105, %dma_wait3A_363] : memref<32768x64xf32, #tpu.memory_space<hbm>> -> memref<256x64xf32, #tpu.memory_space<hbm>>
      %dma_wait3A_365 = arith.constant 0 : i32
      %dma_wait3A_366 = tpu.memref_slice %arg4[%add3A_105, %dma_wait3A_365] : memref<32768x64xf32, #tpu.memory_space<hbm>> -> memref<256x64xf32, #tpu.memory_space<hbm>>
      %dma_wait3A_367 = arith.constant 0 : i32
      %dma_wait3A_368 = arith.constant 0 : i32
      %dma_wait3A_369 = tpu.memref_slice %arg7[%dma_wait3A_367, %dma_wait3A_368] : memref<256x128xf32, #tpu.memory_space<vmem>> -> memref<256x64xf32, #tpu.memory_space<vmem>>
      tpu.wait_dma2 semaphore(%run_scoped3A : memref<!tpu.dma_semaphore, #tpu.memory_space<semaphore_mem>>) src(%dma_wait3A_369 : memref<256x64xf32, #tpu.memory_space<vmem>>) dst(%dma_wait3A_366 : memref<256x64xf32, #tpu.memory_space<hbm>>)
      tpu.yield
    }) : () -> ()
    %dma_start3A_106 = arith.constant 6 : i32
    %dma_start3A_107 = arith.constant 0 : i32
    %dma_start3A_108 = arith.constant 0 : i32
    %dma_start3A_109 = tpu.memref_slice %arg7[%dma_start3A_107, %dma_start3A_108] : memref<256x128xf32, #tpu.memory_space<vmem>> -> memref<128x128xf32, #tpu.memory_space<vmem>>
    %dma_start3A_110 = arith.constant 0 : i32
    %dma_start3A_111 = tpu.memref_slice %arg5[%dma_start3A_106, %dma_start3A_110] : memref<16x128xi32, #tpu.memory_space<vmem>> -> memref<1x128xi32, #tpu.memory_space<vmem>>
    %dma_start3A_112 = tpu.memref_squeeze %dma_start3A_111 : memref<1x128xi32, #tpu.memory_space<vmem>> -> memref<128xi32, #tpu.memory_space<vmem>>
    %dma_start3A_113 = arith.constant 0 : i32
    %dma_start3A_114 = arith.constant 0 : i32
    %dma_start3A_115 = tpu.memref_slice %arg3[%dma_start3A_113, %dma_start3A_114] : memref<1000000x128xf32, #tpu.memory_space<hbm>> -> memref<1000000x128xf32, #tpu.memory_space<hbm>>
    tpu.enqueue_indirect_dma source(%dma_start3A_115 : memref<1000000x128xf32, #tpu.memory_space<hbm>>) target(%dma_start3A_109 : memref<128x128xf32, #tpu.memory_space<vmem>>) offsets(%dma_start3A_112 : memref<128xi32, #tpu.memory_space<vmem>>) semaphore(%arg9 : memref<!tpu.dma_semaphore, #tpu.memory_space<semaphore_mem>>)
    %dma_start3A_116 = arith.constant 7 : i32
    %dma_start3A_117 = arith.constant 128 : i32
    %dma_start3A_118 = arith.constant 0 : i32
    %dma_start3A_119 = tpu.memref_slice %arg7[%dma_start3A_117, %dma_start3A_118] : memref<256x128xf32, #tpu.memory_space<vmem>> -> memref<128x128xf32, #tpu.memory_space<vmem>>
    %dma_start3A_120 = arith.constant 0 : i32
    %dma_start3A_121 = tpu.memref_slice %arg5[%dma_start3A_116, %dma_start3A_120] : memref<16x128xi32, #tpu.memory_space<vmem>> -> memref<1x128xi32, #tpu.memory_space<vmem>>
    %dma_start3A_122 = tpu.memref_squeeze %dma_start3A_121 : memref<1x128xi32, #tpu.memory_space<vmem>> -> memref<128xi32, #tpu.memory_space<vmem>>
    %dma_start3A_123 = arith.constant 0 : i32
    %dma_start3A_124 = arith.constant 0 : i32
    %dma_start3A_125 = tpu.memref_slice %arg3[%dma_start3A_123, %dma_start3A_124] : memref<1000000x128xf32, #tpu.memory_space<hbm>> -> memref<1000000x128xf32, #tpu.memory_space<hbm>>
    tpu.enqueue_indirect_dma source(%dma_start3A_125 : memref<1000000x128xf32, #tpu.memory_space<hbm>>) target(%dma_start3A_119 : memref<128x128xf32, #tpu.memory_space<vmem>>) offsets(%dma_start3A_122 : memref<128xi32, #tpu.memory_space<vmem>>) semaphore(%arg9 : memref<!tpu.dma_semaphore, #tpu.memory_space<semaphore_mem>>)
    %dma_wait3A_126 = arith.constant 4 : i32
    %dma_wait3A_127 = arith.constant 0 : i32
    %dma_wait3A_128 = arith.constant 0 : i32
    %dma_wait3A_129 = tpu.memref_slice %arg6[%dma_wait3A_127, %dma_wait3A_128] : memref<256x128xf32, #tpu.memory_space<vmem>> -> memref<128x128xf32, #tpu.memory_space<vmem>>
    %dma_wait3A_130 = arith.constant 0 : i32
    %dma_wait3A_131 = tpu.memref_slice %arg5[%dma_wait3A_126, %dma_wait3A_130] : memref<16x128xi32, #tpu.memory_space<vmem>> -> memref<1x128xi32, #tpu.memory_space<vmem>>
    %dma_wait3A_132 = tpu.memref_squeeze %dma_wait3A_131 : memref<1x128xi32, #tpu.memory_space<vmem>> -> memref<128xi32, #tpu.memory_space<vmem>>
    %dma_wait3A_133 = arith.constant 0 : i32
    %dma_wait3A_134 = arith.constant 0 : i32
    %dma_wait3A_135 = tpu.memref_slice %arg3[%dma_wait3A_133, %dma_wait3A_134] : memref<1000000x128xf32, #tpu.memory_space<hbm>> -> memref<1000000x128xf32, #tpu.memory_space<hbm>>
    tpu.wait_indirect_dma semaphore(%arg8 : memref<!tpu.dma_semaphore, #tpu.memory_space<semaphore_mem>>) src(%dma_wait3A_135 : memref<1000000x128xf32, #tpu.memory_space<hbm>>) dst(%dma_wait3A_129 : memref<128x128xf32, #tpu.memory_space<vmem>>)
    %dma_wait3A_136 = arith.constant 5 : i32
    %dma_wait3A_137 = arith.constant 128 : i32
    %dma_wait3A_138 = arith.constant 0 : i32
    %dma_wait3A_139 = tpu.memref_slice %arg6[%dma_wait3A_137, %dma_wait3A_138] : memref<256x128xf32, #tpu.memory_space<vmem>> -> memref<128x128xf32, #tpu.memory_space<vmem>>
    %dma_wait3A_140 = arith.constant 0 : i32
    %dma_wait3A_141 = tpu.memref_slice %arg5[%dma_wait3A_136, %dma_wait3A_140] : memref<16x128xi32, #tpu.memory_space<vmem>> -> memref<1x128xi32, #tpu.memory_space<vmem>>
    %dma_wait3A_142 = tpu.memref_squeeze %dma_wait3A_141 : memref<1x128xi32, #tpu.memory_space<vmem>> -> memref<128xi32, #tpu.memory_space<vmem>>
    %dma_wait3A_143 = arith.constant 0 : i32
    %dma_wait3A_144 = arith.constant 0 : i32
    %dma_wait3A_145 = tpu.memref_slice %arg3[%dma_wait3A_143, %dma_wait3A_144] : memref<1000000x128xf32, #tpu.memory_space<hbm>> -> memref<1000000x128xf32, #tpu.memory_space<hbm>>
    tpu.wait_indirect_dma semaphore(%arg8 : memref<!tpu.dma_semaphore, #tpu.memory_space<semaphore_mem>>) src(%dma_wait3A_145 : memref<1000000x128xf32, #tpu.memory_space<hbm>>) dst(%dma_wait3A_139 : memref<128x128xf32, #tpu.memory_space<vmem>>)
    %mul3A_146 = arith.constant 2048 : i32
    %mul3A_147 = arith.muli %arg1, %mul3A_146 : i32
    %add3A_148 = arith.constant 512 : i32
    %add3A_149 = arith.addi %mul3A_147, %add3A_148 : i32
    "tpu.region"() ({
      %run_scoped3A = tpu.sem_alloc : memref<!tpu.dma_semaphore, #tpu.memory_space<semaphore_mem>>
      %dma_start3A_350 = arith.constant 0 : i32
      %dma_start3A_351 = arith.constant 0 : i32
      %dma_start3A_352 = tpu.memref_slice %arg6[%dma_start3A_350, %dma_start3A_351] : memref<256x128xf32, #tpu.memory_space<vmem>> -> memref<256x64xf32, #tpu.memory_space<vmem>>
      %dma_start3A_353 = arith.constant 0 : i32
      %dma_start3A_354 = tpu.memref_slice %arg4[%add3A_149, %dma_start3A_353] : memref<32768x64xf32, #tpu.memory_space<hbm>> -> memref<256x64xf32, #tpu.memory_space<hbm>>
      %dma_start3A_355 = arith.constant 0 : i32
      %dma_start3A_356 = tpu.memref_slice %arg4[%add3A_149, %dma_start3A_355] : memref<32768x64xf32, #tpu.memory_space<hbm>> -> memref<256x64xf32, #tpu.memory_space<hbm>>
      %dma_start3A_357 = arith.constant 0 : i32
      %dma_start3A_358 = arith.constant 0 : i32
      %dma_start3A_359 = tpu.memref_slice %arg6[%dma_start3A_357, %dma_start3A_358] : memref<256x128xf32, #tpu.memory_space<vmem>> -> memref<256x64xf32, #tpu.memory_space<vmem>>
      tpu.enqueue_dma source(%dma_start3A_359 : memref<256x64xf32, #tpu.memory_space<vmem>>) target(%dma_start3A_356 : memref<256x64xf32, #tpu.memory_space<hbm>>) target_semaphore(%run_scoped3A : memref<!tpu.dma_semaphore, #tpu.memory_space<semaphore_mem>>)
      %dma_wait3A_360 = arith.constant 0 : i32
      %dma_wait3A_361 = arith.constant 0 : i32
      %dma_wait3A_362 = tpu.memref_slice %arg6[%dma_wait3A_360, %dma_wait3A_361] : memref<256x128xf32, #tpu.memory_space<vmem>> -> memref<256x64xf32, #tpu.memory_space<vmem>>
      %dma_wait3A_363 = arith.constant 0 : i32
      %dma_wait3A_364 = tpu.memref_slice %arg4[%add3A_149, %dma_wait3A_363] : memref<32768x64xf32, #tpu.memory_space<hbm>> -> memref<256x64xf32, #tpu.memory_space<hbm>>
      %dma_wait3A_365 = arith.constant 0 : i32
      %dma_wait3A_366 = tpu.memref_slice %arg4[%add3A_149, %dma_wait3A_365] : memref<32768x64xf32, #tpu.memory_space<hbm>> -> memref<256x64xf32, #tpu.memory_space<hbm>>
      %dma_wait3A_367 = arith.constant 0 : i32
      %dma_wait3A_368 = arith.constant 0 : i32
      %dma_wait3A_369 = tpu.memref_slice %arg6[%dma_wait3A_367, %dma_wait3A_368] : memref<256x128xf32, #tpu.memory_space<vmem>> -> memref<256x64xf32, #tpu.memory_space<vmem>>
      tpu.wait_dma2 semaphore(%run_scoped3A : memref<!tpu.dma_semaphore, #tpu.memory_space<semaphore_mem>>) src(%dma_wait3A_369 : memref<256x64xf32, #tpu.memory_space<vmem>>) dst(%dma_wait3A_366 : memref<256x64xf32, #tpu.memory_space<hbm>>)
      tpu.yield
    }) : () -> ()
    %dma_start3A_150 = arith.constant 8 : i32
    %dma_start3A_151 = arith.constant 0 : i32
    %dma_start3A_152 = arith.constant 0 : i32
    %dma_start3A_153 = tpu.memref_slice %arg6[%dma_start3A_151, %dma_start3A_152] : memref<256x128xf32, #tpu.memory_space<vmem>> -> memref<128x128xf32, #tpu.memory_space<vmem>>
    %dma_start3A_154 = arith.constant 0 : i32
    %dma_start3A_155 = tpu.memref_slice %arg5[%dma_start3A_150, %dma_start3A_154] : memref<16x128xi32, #tpu.memory_space<vmem>> -> memref<1x128xi32, #tpu.memory_space<vmem>>
    %dma_start3A_156 = tpu.memref_squeeze %dma_start3A_155 : memref<1x128xi32, #tpu.memory_space<vmem>> -> memref<128xi32, #tpu.memory_space<vmem>>
    %dma_start3A_157 = arith.constant 0 : i32
    %dma_start3A_158 = arith.constant 0 : i32
    %dma_start3A_159 = tpu.memref_slice %arg3[%dma_start3A_157, %dma_start3A_158] : memref<1000000x128xf32, #tpu.memory_space<hbm>> -> memref<1000000x128xf32, #tpu.memory_space<hbm>>
    tpu.enqueue_indirect_dma source(%dma_start3A_159 : memref<1000000x128xf32, #tpu.memory_space<hbm>>) target(%dma_start3A_153 : memref<128x128xf32, #tpu.memory_space<vmem>>) offsets(%dma_start3A_156 : memref<128xi32, #tpu.memory_space<vmem>>) semaphore(%arg8 : memref<!tpu.dma_semaphore, #tpu.memory_space<semaphore_mem>>)
    %dma_start3A_160 = arith.constant 9 : i32
    %dma_start3A_161 = arith.constant 128 : i32
    %dma_start3A_162 = arith.constant 0 : i32
    %dma_start3A_163 = tpu.memref_slice %arg6[%dma_start3A_161, %dma_start3A_162] : memref<256x128xf32, #tpu.memory_space<vmem>> -> memref<128x128xf32, #tpu.memory_space<vmem>>
    %dma_start3A_164 = arith.constant 0 : i32
    %dma_start3A_165 = tpu.memref_slice %arg5[%dma_start3A_160, %dma_start3A_164] : memref<16x128xi32, #tpu.memory_space<vmem>> -> memref<1x128xi32, #tpu.memory_space<vmem>>
    %dma_start3A_166 = tpu.memref_squeeze %dma_start3A_165 : memref<1x128xi32, #tpu.memory_space<vmem>> -> memref<128xi32, #tpu.memory_space<vmem>>
    %dma_start3A_167 = arith.constant 0 : i32
    %dma_start3A_168 = arith.constant 0 : i32
    %dma_start3A_169 = tpu.memref_slice %arg3[%dma_start3A_167, %dma_start3A_168] : memref<1000000x128xf32, #tpu.memory_space<hbm>> -> memref<1000000x128xf32, #tpu.memory_space<hbm>>
    tpu.enqueue_indirect_dma source(%dma_start3A_169 : memref<1000000x128xf32, #tpu.memory_space<hbm>>) target(%dma_start3A_163 : memref<128x128xf32, #tpu.memory_space<vmem>>) offsets(%dma_start3A_166 : memref<128xi32, #tpu.memory_space<vmem>>) semaphore(%arg8 : memref<!tpu.dma_semaphore, #tpu.memory_space<semaphore_mem>>)
    %dma_wait3A_170 = arith.constant 6 : i32
    %dma_wait3A_171 = arith.constant 0 : i32
    %dma_wait3A_172 = arith.constant 0 : i32
    %dma_wait3A_173 = tpu.memref_slice %arg7[%dma_wait3A_171, %dma_wait3A_172] : memref<256x128xf32, #tpu.memory_space<vmem>> -> memref<128x128xf32, #tpu.memory_space<vmem>>
    %dma_wait3A_174 = arith.constant 0 : i32
    %dma_wait3A_175 = tpu.memref_slice %arg5[%dma_wait3A_170, %dma_wait3A_174] : memref<16x128xi32, #tpu.memory_space<vmem>> -> memref<1x128xi32, #tpu.memory_space<vmem>>
    %dma_wait3A_176 = tpu.memref_squeeze %dma_wait3A_175 : memref<1x128xi32, #tpu.memory_space<vmem>> -> memref<128xi32, #tpu.memory_space<vmem>>
    %dma_wait3A_177 = arith.constant 0 : i32
    %dma_wait3A_178 = arith.constant 0 : i32
    %dma_wait3A_179 = tpu.memref_slice %arg3[%dma_wait3A_177, %dma_wait3A_178] : memref<1000000x128xf32, #tpu.memory_space<hbm>> -> memref<1000000x128xf32, #tpu.memory_space<hbm>>
    tpu.wait_indirect_dma semaphore(%arg9 : memref<!tpu.dma_semaphore, #tpu.memory_space<semaphore_mem>>) src(%dma_wait3A_179 : memref<1000000x128xf32, #tpu.memory_space<hbm>>) dst(%dma_wait3A_173 : memref<128x128xf32, #tpu.memory_space<vmem>>)
    %dma_wait3A_180 = arith.constant 7 : i32
    %dma_wait3A_181 = arith.constant 128 : i32
    %dma_wait3A_182 = arith.constant 0 : i32
    %dma_wait3A_183 = tpu.memref_slice %arg7[%dma_wait3A_181, %dma_wait3A_182] : memref<256x128xf32, #tpu.memory_space<vmem>> -> memref<128x128xf32, #tpu.memory_space<vmem>>
    %dma_wait3A_184 = arith.constant 0 : i32
    %dma_wait3A_185 = tpu.memref_slice %arg5[%dma_wait3A_180, %dma_wait3A_184] : memref<16x128xi32, #tpu.memory_space<vmem>> -> memref<1x128xi32, #tpu.memory_space<vmem>>
    %dma_wait3A_186 = tpu.memref_squeeze %dma_wait3A_185 : memref<1x128xi32, #tpu.memory_space<vmem>> -> memref<128xi32, #tpu.memory_space<vmem>>
    %dma_wait3A_187 = arith.constant 0 : i32
    %dma_wait3A_188 = arith.constant 0 : i32
    %dma_wait3A_189 = tpu.memref_slice %arg3[%dma_wait3A_187, %dma_wait3A_188] : memref<1000000x128xf32, #tpu.memory_space<hbm>> -> memref<1000000x128xf32, #tpu.memory_space<hbm>>
    tpu.wait_indirect_dma semaphore(%arg9 : memref<!tpu.dma_semaphore, #tpu.memory_space<semaphore_mem>>) src(%dma_wait3A_189 : memref<1000000x128xf32, #tpu.memory_space<hbm>>) dst(%dma_wait3A_183 : memref<128x128xf32, #tpu.memory_space<vmem>>)
    %mul3A_190 = arith.constant 2048 : i32
    %mul3A_191 = arith.muli %arg1, %mul3A_190 : i32
    %add3A_192 = arith.constant 768 : i32
    %add3A_193 = arith.addi %mul3A_191, %add3A_192 : i32
    "tpu.region"() ({
      %run_scoped3A = tpu.sem_alloc : memref<!tpu.dma_semaphore, #tpu.memory_space<semaphore_mem>>
      %dma_start3A_350 = arith.constant 0 : i32
      %dma_start3A_351 = arith.constant 0 : i32
      %dma_start3A_352 = tpu.memref_slice %arg7[%dma_start3A_350, %dma_start3A_351] : memref<256x128xf32, #tpu.memory_space<vmem>> -> memref<256x64xf32, #tpu.memory_space<vmem>>
      %dma_start3A_353 = arith.constant 0 : i32
      %dma_start3A_354 = tpu.memref_slice %arg4[%add3A_193, %dma_start3A_353] : memref<32768x64xf32, #tpu.memory_space<hbm>> -> memref<256x64xf32, #tpu.memory_space<hbm>>
      %dma_start3A_355 = arith.constant 0 : i32
      %dma_start3A_356 = tpu.memref_slice %arg4[%add3A_193, %dma_start3A_355] : memref<32768x64xf32, #tpu.memory_space<hbm>> -> memref<256x64xf32, #tpu.memory_space<hbm>>
      %dma_start3A_357 = arith.constant 0 : i32
      %dma_start3A_358 = arith.constant 0 : i32
      %dma_start3A_359 = tpu.memref_slice %arg7[%dma_start3A_357, %dma_start3A_358] : memref<256x128xf32, #tpu.memory_space<vmem>> -> memref<256x64xf32, #tpu.memory_space<vmem>>
      tpu.enqueue_dma source(%dma_start3A_359 : memref<256x64xf32, #tpu.memory_space<vmem>>) target(%dma_start3A_356 : memref<256x64xf32, #tpu.memory_space<hbm>>) target_semaphore(%run_scoped3A : memref<!tpu.dma_semaphore, #tpu.memory_space<semaphore_mem>>)
      %dma_wait3A_360 = arith.constant 0 : i32
      %dma_wait3A_361 = arith.constant 0 : i32
      %dma_wait3A_362 = tpu.memref_slice %arg7[%dma_wait3A_360, %dma_wait3A_361] : memref<256x128xf32, #tpu.memory_space<vmem>> -> memref<256x64xf32, #tpu.memory_space<vmem>>
      %dma_wait3A_363 = arith.constant 0 : i32
      %dma_wait3A_364 = tpu.memref_slice %arg4[%add3A_193, %dma_wait3A_363] : memref<32768x64xf32, #tpu.memory_space<hbm>> -> memref<256x64xf32, #tpu.memory_space<hbm>>
      %dma_wait3A_365 = arith.constant 0 : i32
      %dma_wait3A_366 = tpu.memref_slice %arg4[%add3A_193, %dma_wait3A_365] : memref<32768x64xf32, #tpu.memory_space<hbm>> -> memref<256x64xf32, #tpu.memory_space<hbm>>
      %dma_wait3A_367 = arith.constant 0 : i32
      %dma_wait3A_368 = arith.constant 0 : i32
      %dma_wait3A_369 = tpu.memref_slice %arg7[%dma_wait3A_367, %dma_wait3A_368] : memref<256x128xf32, #tpu.memory_space<vmem>> -> memref<256x64xf32, #tpu.memory_space<vmem>>
      tpu.wait_dma2 semaphore(%run_scoped3A : memref<!tpu.dma_semaphore, #tpu.memory_space<semaphore_mem>>) src(%dma_wait3A_369 : memref<256x64xf32, #tpu.memory_space<vmem>>) dst(%dma_wait3A_366 : memref<256x64xf32, #tpu.memory_space<hbm>>)
      tpu.yield
    }) : () -> ()
    %dma_start3A_194 = arith.constant 10 : i32
    %dma_start3A_195 = arith.constant 0 : i32
    %dma_start3A_196 = arith.constant 0 : i32
    %dma_start3A_197 = tpu.memref_slice %arg7[%dma_start3A_195, %dma_start3A_196] : memref<256x128xf32, #tpu.memory_space<vmem>> -> memref<128x128xf32, #tpu.memory_space<vmem>>
    %dma_start3A_198 = arith.constant 0 : i32
    %dma_start3A_199 = tpu.memref_slice %arg5[%dma_start3A_194, %dma_start3A_198] : memref<16x128xi32, #tpu.memory_space<vmem>> -> memref<1x128xi32, #tpu.memory_space<vmem>>
    %dma_start3A_200 = tpu.memref_squeeze %dma_start3A_199 : memref<1x128xi32, #tpu.memory_space<vmem>> -> memref<128xi32, #tpu.memory_space<vmem>>
    %dma_start3A_201 = arith.constant 0 : i32
    %dma_start3A_202 = arith.constant 0 : i32
    %dma_start3A_203 = tpu.memref_slice %arg3[%dma_start3A_201, %dma_start3A_202] : memref<1000000x128xf32, #tpu.memory_space<hbm>> -> memref<1000000x128xf32, #tpu.memory_space<hbm>>
    tpu.enqueue_indirect_dma source(%dma_start3A_203 : memref<1000000x128xf32, #tpu.memory_space<hbm>>) target(%dma_start3A_197 : memref<128x128xf32, #tpu.memory_space<vmem>>) offsets(%dma_start3A_200 : memref<128xi32, #tpu.memory_space<vmem>>) semaphore(%arg9 : memref<!tpu.dma_semaphore, #tpu.memory_space<semaphore_mem>>)
    %dma_start3A_204 = arith.constant 11 : i32
    %dma_start3A_205 = arith.constant 128 : i32
    %dma_start3A_206 = arith.constant 0 : i32
    %dma_start3A_207 = tpu.memref_slice %arg7[%dma_start3A_205, %dma_start3A_206] : memref<256x128xf32, #tpu.memory_space<vmem>> -> memref<128x128xf32, #tpu.memory_space<vmem>>
    %dma_start3A_208 = arith.constant 0 : i32
    %dma_start3A_209 = tpu.memref_slice %arg5[%dma_start3A_204, %dma_start3A_208] : memref<16x128xi32, #tpu.memory_space<vmem>> -> memref<1x128xi32, #tpu.memory_space<vmem>>
    %dma_start3A_210 = tpu.memref_squeeze %dma_start3A_209 : memref<1x128xi32, #tpu.memory_space<vmem>> -> memref<128xi32, #tpu.memory_space<vmem>>
    %dma_start3A_211 = arith.constant 0 : i32
    %dma_start3A_212 = arith.constant 0 : i32
    %dma_start3A_213 = tpu.memref_slice %arg3[%dma_start3A_211, %dma_start3A_212] : memref<1000000x128xf32, #tpu.memory_space<hbm>> -> memref<1000000x128xf32, #tpu.memory_space<hbm>>
    tpu.enqueue_indirect_dma source(%dma_start3A_213 : memref<1000000x128xf32, #tpu.memory_space<hbm>>) target(%dma_start3A_207 : memref<128x128xf32, #tpu.memory_space<vmem>>) offsets(%dma_start3A_210 : memref<128xi32, #tpu.memory_space<vmem>>) semaphore(%arg9 : memref<!tpu.dma_semaphore, #tpu.memory_space<semaphore_mem>>)
    %dma_wait3A_214 = arith.constant 8 : i32
    %dma_wait3A_215 = arith.constant 0 : i32
    %dma_wait3A_216 = arith.constant 0 : i32
    %dma_wait3A_217 = tpu.memref_slice %arg6[%dma_wait3A_215, %dma_wait3A_216] : memref<256x128xf32, #tpu.memory_space<vmem>> -> memref<128x128xf32, #tpu.memory_space<vmem>>
    %dma_wait3A_218 = arith.constant 0 : i32
    %dma_wait3A_219 = tpu.memref_slice %arg5[%dma_wait3A_214, %dma_wait3A_218] : memref<16x128xi32, #tpu.memory_space<vmem>> -> memref<1x128xi32, #tpu.memory_space<vmem>>
    %dma_wait3A_220 = tpu.memref_squeeze %dma_wait3A_219 : memref<1x128xi32, #tpu.memory_space<vmem>> -> memref<128xi32, #tpu.memory_space<vmem>>
    %dma_wait3A_221 = arith.constant 0 : i32
    %dma_wait3A_222 = arith.constant 0 : i32
    %dma_wait3A_223 = tpu.memref_slice %arg3[%dma_wait3A_221, %dma_wait3A_222] : memref<1000000x128xf32, #tpu.memory_space<hbm>> -> memref<1000000x128xf32, #tpu.memory_space<hbm>>
    tpu.wait_indirect_dma semaphore(%arg8 : memref<!tpu.dma_semaphore, #tpu.memory_space<semaphore_mem>>) src(%dma_wait3A_223 : memref<1000000x128xf32, #tpu.memory_space<hbm>>) dst(%dma_wait3A_217 : memref<128x128xf32, #tpu.memory_space<vmem>>)
    %dma_wait3A_224 = arith.constant 9 : i32
    %dma_wait3A_225 = arith.constant 128 : i32
    %dma_wait3A_226 = arith.constant 0 : i32
    %dma_wait3A_227 = tpu.memref_slice %arg6[%dma_wait3A_225, %dma_wait3A_226] : memref<256x128xf32, #tpu.memory_space<vmem>> -> memref<128x128xf32, #tpu.memory_space<vmem>>
    %dma_wait3A_228 = arith.constant 0 : i32
    %dma_wait3A_229 = tpu.memref_slice %arg5[%dma_wait3A_224, %dma_wait3A_228] : memref<16x128xi32, #tpu.memory_space<vmem>> -> memref<1x128xi32, #tpu.memory_space<vmem>>
    %dma_wait3A_230 = tpu.memref_squeeze %dma_wait3A_229 : memref<1x128xi32, #tpu.memory_space<vmem>> -> memref<128xi32, #tpu.memory_space<vmem>>
    %dma_wait3A_231 = arith.constant 0 : i32
    %dma_wait3A_232 = arith.constant 0 : i32
    %dma_wait3A_233 = tpu.memref_slice %arg3[%dma_wait3A_231, %dma_wait3A_232] : memref<1000000x128xf32, #tpu.memory_space<hbm>> -> memref<1000000x128xf32, #tpu.memory_space<hbm>>
    tpu.wait_indirect_dma semaphore(%arg8 : memref<!tpu.dma_semaphore, #tpu.memory_space<semaphore_mem>>) src(%dma_wait3A_233 : memref<1000000x128xf32, #tpu.memory_space<hbm>>) dst(%dma_wait3A_227 : memref<128x128xf32, #tpu.memory_space<vmem>>)
    %mul3A_234 = arith.constant 2048 : i32
    %mul3A_235 = arith.muli %arg1, %mul3A_234 : i32
    %add3A_236 = arith.constant 1024 : i32
    %add3A_237 = arith.addi %mul3A_235, %add3A_236 : i32
    "tpu.region"() ({
      %run_scoped3A = tpu.sem_alloc : memref<!tpu.dma_semaphore, #tpu.memory_space<semaphore_mem>>
      %dma_start3A_350 = arith.constant 0 : i32
      %dma_start3A_351 = arith.constant 0 : i32
      %dma_start3A_352 = tpu.memref_slice %arg6[%dma_start3A_350, %dma_start3A_351] : memref<256x128xf32, #tpu.memory_space<vmem>> -> memref<256x64xf32, #tpu.memory_space<vmem>>
      %dma_start3A_353 = arith.constant 0 : i32
      %dma_start3A_354 = tpu.memref_slice %arg4[%add3A_237, %dma_start3A_353] : memref<32768x64xf32, #tpu.memory_space<hbm>> -> memref<256x64xf32, #tpu.memory_space<hbm>>
      %dma_start3A_355 = arith.constant 0 : i32
      %dma_start3A_356 = tpu.memref_slice %arg4[%add3A_237, %dma_start3A_355] : memref<32768x64xf32, #tpu.memory_space<hbm>> -> memref<256x64xf32, #tpu.memory_space<hbm>>
      %dma_start3A_357 = arith.constant 0 : i32
      %dma_start3A_358 = arith.constant 0 : i32
      %dma_start3A_359 = tpu.memref_slice %arg6[%dma_start3A_357, %dma_start3A_358] : memref<256x128xf32, #tpu.memory_space<vmem>> -> memref<256x64xf32, #tpu.memory_space<vmem>>
      tpu.enqueue_dma source(%dma_start3A_359 : memref<256x64xf32, #tpu.memory_space<vmem>>) target(%dma_start3A_356 : memref<256x64xf32, #tpu.memory_space<hbm>>) target_semaphore(%run_scoped3A : memref<!tpu.dma_semaphore, #tpu.memory_space<semaphore_mem>>)
      %dma_wait3A_360 = arith.constant 0 : i32
      %dma_wait3A_361 = arith.constant 0 : i32
      %dma_wait3A_362 = tpu.memref_slice %arg6[%dma_wait3A_360, %dma_wait3A_361] : memref<256x128xf32, #tpu.memory_space<vmem>> -> memref<256x64xf32, #tpu.memory_space<vmem>>
      %dma_wait3A_363 = arith.constant 0 : i32
      %dma_wait3A_364 = tpu.memref_slice %arg4[%add3A_237, %dma_wait3A_363] : memref<32768x64xf32, #tpu.memory_space<hbm>> -> memref<256x64xf32, #tpu.memory_space<hbm>>
      %dma_wait3A_365 = arith.constant 0 : i32
      %dma_wait3A_366 = tpu.memref_slice %arg4[%add3A_237, %dma_wait3A_365] : memref<32768x64xf32, #tpu.memory_space<hbm>> -> memref<256x64xf32, #tpu.memory_space<hbm>>
      %dma_wait3A_367 = arith.constant 0 : i32
      %dma_wait3A_368 = arith.constant 0 : i32
      %dma_wait3A_369 = tpu.memref_slice %arg6[%dma_wait3A_367, %dma_wait3A_368] : memref<256x128xf32, #tpu.memory_space<vmem>> -> memref<256x64xf32, #tpu.memory_space<vmem>>
      tpu.wait_dma2 semaphore(%run_scoped3A : memref<!tpu.dma_semaphore, #tpu.memory_space<semaphore_mem>>) src(%dma_wait3A_369 : memref<256x64xf32, #tpu.memory_space<vmem>>) dst(%dma_wait3A_366 : memref<256x64xf32, #tpu.memory_space<hbm>>)
      tpu.yield
    }) : () -> ()
    %dma_start3A_238 = arith.constant 12 : i32
    %dma_start3A_239 = arith.constant 0 : i32
    %dma_start3A_240 = arith.constant 0 : i32
    %dma_start3A_241 = tpu.memref_slice %arg6[%dma_start3A_239, %dma_start3A_240] : memref<256x128xf32, #tpu.memory_space<vmem>> -> memref<128x128xf32, #tpu.memory_space<vmem>>
    %dma_start3A_242 = arith.constant 0 : i32
    %dma_start3A_243 = tpu.memref_slice %arg5[%dma_start3A_238, %dma_start3A_242] : memref<16x128xi32, #tpu.memory_space<vmem>> -> memref<1x128xi32, #tpu.memory_space<vmem>>
    %dma_start3A_244 = tpu.memref_squeeze %dma_start3A_243 : memref<1x128xi32, #tpu.memory_space<vmem>> -> memref<128xi32, #tpu.memory_space<vmem>>
    %dma_start3A_245 = arith.constant 0 : i32
    %dma_start3A_246 = arith.constant 0 : i32
    %dma_start3A_247 = tpu.memref_slice %arg3[%dma_start3A_245, %dma_start3A_246] : memref<1000000x128xf32, #tpu.memory_space<hbm>> -> memref<1000000x128xf32, #tpu.memory_space<hbm>>
    tpu.enqueue_indirect_dma source(%dma_start3A_247 : memref<1000000x128xf32, #tpu.memory_space<hbm>>) target(%dma_start3A_241 : memref<128x128xf32, #tpu.memory_space<vmem>>) offsets(%dma_start3A_244 : memref<128xi32, #tpu.memory_space<vmem>>) semaphore(%arg8 : memref<!tpu.dma_semaphore, #tpu.memory_space<semaphore_mem>>)
    %dma_start3A_248 = arith.constant 13 : i32
    %dma_start3A_249 = arith.constant 128 : i32
    %dma_start3A_250 = arith.constant 0 : i32
    %dma_start3A_251 = tpu.memref_slice %arg6[%dma_start3A_249, %dma_start3A_250] : memref<256x128xf32, #tpu.memory_space<vmem>> -> memref<128x128xf32, #tpu.memory_space<vmem>>
    %dma_start3A_252 = arith.constant 0 : i32
    %dma_start3A_253 = tpu.memref_slice %arg5[%dma_start3A_248, %dma_start3A_252] : memref<16x128xi32, #tpu.memory_space<vmem>> -> memref<1x128xi32, #tpu.memory_space<vmem>>
    %dma_start3A_254 = tpu.memref_squeeze %dma_start3A_253 : memref<1x128xi32, #tpu.memory_space<vmem>> -> memref<128xi32, #tpu.memory_space<vmem>>
    %dma_start3A_255 = arith.constant 0 : i32
    %dma_start3A_256 = arith.constant 0 : i32
    %dma_start3A_257 = tpu.memref_slice %arg3[%dma_start3A_255, %dma_start3A_256] : memref<1000000x128xf32, #tpu.memory_space<hbm>> -> memref<1000000x128xf32, #tpu.memory_space<hbm>>
    tpu.enqueue_indirect_dma source(%dma_start3A_257 : memref<1000000x128xf32, #tpu.memory_space<hbm>>) target(%dma_start3A_251 : memref<128x128xf32, #tpu.memory_space<vmem>>) offsets(%dma_start3A_254 : memref<128xi32, #tpu.memory_space<vmem>>) semaphore(%arg8 : memref<!tpu.dma_semaphore, #tpu.memory_space<semaphore_mem>>)
    %dma_wait3A_258 = arith.constant 10 : i32
    %dma_wait3A_259 = arith.constant 0 : i32
    %dma_wait3A_260 = arith.constant 0 : i32
    %dma_wait3A_261 = tpu.memref_slice %arg7[%dma_wait3A_259, %dma_wait3A_260] : memref<256x128xf32, #tpu.memory_space<vmem>> -> memref<128x128xf32, #tpu.memory_space<vmem>>
    %dma_wait3A_262 = arith.constant 0 : i32
    %dma_wait3A_263 = tpu.memref_slice %arg5[%dma_wait3A_258, %dma_wait3A_262] : memref<16x128xi32, #tpu.memory_space<vmem>> -> memref<1x128xi32, #tpu.memory_space<vmem>>
    %dma_wait3A_264 = tpu.memref_squeeze %dma_wait3A_263 : memref<1x128xi32, #tpu.memory_space<vmem>> -> memref<128xi32, #tpu.memory_space<vmem>>
    %dma_wait3A_265 = arith.constant 0 : i32
    %dma_wait3A_266 = arith.constant 0 : i32
    %dma_wait3A_267 = tpu.memref_slice %arg3[%dma_wait3A_265, %dma_wait3A_266] : memref<1000000x128xf32, #tpu.memory_space<hbm>> -> memref<1000000x128xf32, #tpu.memory_space<hbm>>
    tpu.wait_indirect_dma semaphore(%arg9 : memref<!tpu.dma_semaphore, #tpu.memory_space<semaphore_mem>>) src(%dma_wait3A_267 : memref<1000000x128xf32, #tpu.memory_space<hbm>>) dst(%dma_wait3A_261 : memref<128x128xf32, #tpu.memory_space<vmem>>)
    %dma_wait3A_268 = arith.constant 11 : i32
    %dma_wait3A_269 = arith.constant 128 : i32
    %dma_wait3A_270 = arith.constant 0 : i32
    %dma_wait3A_271 = tpu.memref_slice %arg7[%dma_wait3A_269, %dma_wait3A_270] : memref<256x128xf32, #tpu.memory_space<vmem>> -> memref<128x128xf32, #tpu.memory_space<vmem>>
    %dma_wait3A_272 = arith.constant 0 : i32
    %dma_wait3A_273 = tpu.memref_slice %arg5[%dma_wait3A_268, %dma_wait3A_272] : memref<16x128xi32, #tpu.memory_space<vmem>> -> memref<1x128xi32, #tpu.memory_space<vmem>>
    %dma_wait3A_274 = tpu.memref_squeeze %dma_wait3A_273 : memref<1x128xi32, #tpu.memory_space<vmem>> -> memref<128xi32, #tpu.memory_space<vmem>>
    %dma_wait3A_275 = arith.constant 0 : i32
    %dma_wait3A_276 = arith.constant 0 : i32
    %dma_wait3A_277 = tpu.memref_slice %arg3[%dma_wait3A_275, %dma_wait3A_276] : memref<1000000x128xf32, #tpu.memory_space<hbm>> -> memref<1000000x128xf32, #tpu.memory_space<hbm>>
    tpu.wait_indirect_dma semaphore(%arg9 : memref<!tpu.dma_semaphore, #tpu.memory_space<semaphore_mem>>) src(%dma_wait3A_277 : memref<1000000x128xf32, #tpu.memory_space<hbm>>) dst(%dma_wait3A_271 : memref<128x128xf32, #tpu.memory_space<vmem>>)
    %mul3A_278 = arith.constant 2048 : i32
    %mul3A_279 = arith.muli %arg1, %mul3A_278 : i32
    %add3A_280 = arith.constant 1280 : i32
    %add3A_281 = arith.addi %mul3A_279, %add3A_280 : i32
    "tpu.region"() ({
      %run_scoped3A = tpu.sem_alloc : memref<!tpu.dma_semaphore, #tpu.memory_space<semaphore_mem>>
      %dma_start3A_350 = arith.constant 0 : i32
      %dma_start3A_351 = arith.constant 0 : i32
      %dma_start3A_352 = tpu.memref_slice %arg7[%dma_start3A_350, %dma_start3A_351] : memref<256x128xf32, #tpu.memory_space<vmem>> -> memref<256x64xf32, #tpu.memory_space<vmem>>
      %dma_start3A_353 = arith.constant 0 : i32
      %dma_start3A_354 = tpu.memref_slice %arg4[%add3A_281, %dma_start3A_353] : memref<32768x64xf32, #tpu.memory_space<hbm>> -> memref<256x64xf32, #tpu.memory_space<hbm>>
      %dma_start3A_355 = arith.constant 0 : i32
      %dma_start3A_356 = tpu.memref_slice %arg4[%add3A_281, %dma_start3A_355] : memref<32768x64xf32, #tpu.memory_space<hbm>> -> memref<256x64xf32, #tpu.memory_space<hbm>>
      %dma_start3A_357 = arith.constant 0 : i32
      %dma_start3A_358 = arith.constant 0 : i32
      %dma_start3A_359 = tpu.memref_slice %arg7[%dma_start3A_357, %dma_start3A_358] : memref<256x128xf32, #tpu.memory_space<vmem>> -> memref<256x64xf32, #tpu.memory_space<vmem>>
      tpu.enqueue_dma source(%dma_start3A_359 : memref<256x64xf32, #tpu.memory_space<vmem>>) target(%dma_start3A_356 : memref<256x64xf32, #tpu.memory_space<hbm>>) target_semaphore(%run_scoped3A : memref<!tpu.dma_semaphore, #tpu.memory_space<semaphore_mem>>)
      %dma_wait3A_360 = arith.constant 0 : i32
      %dma_wait3A_361 = arith.constant 0 : i32
      %dma_wait3A_362 = tpu.memref_slice %arg7[%dma_wait3A_360, %dma_wait3A_361] : memref<256x128xf32, #tpu.memory_space<vmem>> -> memref<256x64xf32, #tpu.memory_space<vmem>>
      %dma_wait3A_363 = arith.constant 0 : i32
      %dma_wait3A_364 = tpu.memref_slice %arg4[%add3A_281, %dma_wait3A_363] : memref<32768x64xf32, #tpu.memory_space<hbm>> -> memref<256x64xf32, #tpu.memory_space<hbm>>
      %dma_wait3A_365 = arith.constant 0 : i32
      %dma_wait3A_366 = tpu.memref_slice %arg4[%add3A_281, %dma_wait3A_365] : memref<32768x64xf32, #tpu.memory_space<hbm>> -> memref<256x64xf32, #tpu.memory_space<hbm>>
      %dma_wait3A_367 = arith.constant 0 : i32
      %dma_wait3A_368 = arith.constant 0 : i32
      %dma_wait3A_369 = tpu.memref_slice %arg7[%dma_wait3A_367, %dma_wait3A_368] : memref<256x128xf32, #tpu.memory_space<vmem>> -> memref<256x64xf32, #tpu.memory_space<vmem>>
      tpu.wait_dma2 semaphore(%run_scoped3A : memref<!tpu.dma_semaphore, #tpu.memory_space<semaphore_mem>>) src(%dma_wait3A_369 : memref<256x64xf32, #tpu.memory_space<vmem>>) dst(%dma_wait3A_366 : memref<256x64xf32, #tpu.memory_space<hbm>>)
      tpu.yield
    }) : () -> ()
    %dma_start3A_282 = arith.constant 14 : i32
    %dma_start3A_283 = arith.constant 0 : i32
    %dma_start3A_284 = arith.constant 0 : i32
    %dma_start3A_285 = tpu.memref_slice %arg7[%dma_start3A_283, %dma_start3A_284] : memref<256x128xf32, #tpu.memory_space<vmem>> -> memref<128x128xf32, #tpu.memory_space<vmem>>
    %dma_start3A_286 = arith.constant 0 : i32
    %dma_start3A_287 = tpu.memref_slice %arg5[%dma_start3A_282, %dma_start3A_286] : memref<16x128xi32, #tpu.memory_space<vmem>> -> memref<1x128xi32, #tpu.memory_space<vmem>>
    %dma_start3A_288 = tpu.memref_squeeze %dma_start3A_287 : memref<1x128xi32, #tpu.memory_space<vmem>> -> memref<128xi32, #tpu.memory_space<vmem>>
    %dma_start3A_289 = arith.constant 0 : i32
    %dma_start3A_290 = arith.constant 0 : i32
    %dma_start3A_291 = tpu.memref_slice %arg3[%dma_start3A_289, %dma_start3A_290] : memref<1000000x128xf32, #tpu.memory_space<hbm>> -> memref<1000000x128xf32, #tpu.memory_space<hbm>>
    tpu.enqueue_indirect_dma source(%dma_start3A_291 : memref<1000000x128xf32, #tpu.memory_space<hbm>>) target(%dma_start3A_285 : memref<128x128xf32, #tpu.memory_space<vmem>>) offsets(%dma_start3A_288 : memref<128xi32, #tpu.memory_space<vmem>>) semaphore(%arg9 : memref<!tpu.dma_semaphore, #tpu.memory_space<semaphore_mem>>)
    %dma_start3A_292 = arith.constant 15 : i32
    %dma_start3A_293 = arith.constant 128 : i32
    %dma_start3A_294 = arith.constant 0 : i32
    %dma_start3A_295 = tpu.memref_slice %arg7[%dma_start3A_293, %dma_start3A_294] : memref<256x128xf32, #tpu.memory_space<vmem>> -> memref<128x128xf32, #tpu.memory_space<vmem>>
    %dma_start3A_296 = arith.constant 0 : i32
    %dma_start3A_297 = tpu.memref_slice %arg5[%dma_start3A_292, %dma_start3A_296] : memref<16x128xi32, #tpu.memory_space<vmem>> -> memref<1x128xi32, #tpu.memory_space<vmem>>
    %dma_start3A_298 = tpu.memref_squeeze %dma_start3A_297 : memref<1x128xi32, #tpu.memory_space<vmem>> -> memref<128xi32, #tpu.memory_space<vmem>>
    %dma_start3A_299 = arith.constant 0 : i32
    %dma_start3A_300 = arith.constant 0 : i32
    %dma_start3A_301 = tpu.memref_slice %arg3[%dma_start3A_299, %dma_start3A_300] : memref<1000000x128xf32, #tpu.memory_space<hbm>> -> memref<1000000x128xf32, #tpu.memory_space<hbm>>
    tpu.enqueue_indirect_dma source(%dma_start3A_301 : memref<1000000x128xf32, #tpu.memory_space<hbm>>) target(%dma_start3A_295 : memref<128x128xf32, #tpu.memory_space<vmem>>) offsets(%dma_start3A_298 : memref<128xi32, #tpu.memory_space<vmem>>) semaphore(%arg9 : memref<!tpu.dma_semaphore, #tpu.memory_space<semaphore_mem>>)
    %dma_wait3A_302 = arith.constant 12 : i32
    %dma_wait3A_303 = arith.constant 0 : i32
    %dma_wait3A_304 = arith.constant 0 : i32
    %dma_wait3A_305 = tpu.memref_slice %arg6[%dma_wait3A_303, %dma_wait3A_304] : memref<256x128xf32, #tpu.memory_space<vmem>> -> memref<128x128xf32, #tpu.memory_space<vmem>>
    %dma_wait3A_306 = arith.constant 0 : i32
    %dma_wait3A_307 = tpu.memref_slice %arg5[%dma_wait3A_302, %dma_wait3A_306] : memref<16x128xi32, #tpu.memory_space<vmem>> -> memref<1x128xi32, #tpu.memory_space<vmem>>
    %dma_wait3A_308 = tpu.memref_squeeze %dma_wait3A_307 : memref<1x128xi32, #tpu.memory_space<vmem>> -> memref<128xi32, #tpu.memory_space<vmem>>
    %dma_wait3A_309 = arith.constant 0 : i32
    %dma_wait3A_310 = arith.constant 0 : i32
    %dma_wait3A_311 = tpu.memref_slice %arg3[%dma_wait3A_309, %dma_wait3A_310] : memref<1000000x128xf32, #tpu.memory_space<hbm>> -> memref<1000000x128xf32, #tpu.memory_space<hbm>>
    tpu.wait_indirect_dma semaphore(%arg8 : memref<!tpu.dma_semaphore, #tpu.memory_space<semaphore_mem>>) src(%dma_wait3A_311 : memref<1000000x128xf32, #tpu.memory_space<hbm>>) dst(%dma_wait3A_305 : memref<128x128xf32, #tpu.memory_space<vmem>>)
    %dma_wait3A_312 = arith.constant 13 : i32
    %dma_wait3A_313 = arith.constant 128 : i32
    %dma_wait3A_314 = arith.constant 0 : i32
    %dma_wait3A_315 = tpu.memref_slice %arg6[%dma_wait3A_313, %dma_wait3A_314] : memref<256x128xf32, #tpu.memory_space<vmem>> -> memref<128x128xf32, #tpu.memory_space<vmem>>
    %dma_wait3A_316 = arith.constant 0 : i32
    %dma_wait3A_317 = tpu.memref_slice %arg5[%dma_wait3A_312, %dma_wait3A_316] : memref<16x128xi32, #tpu.memory_space<vmem>> -> memref<1x128xi32, #tpu.memory_space<vmem>>
    %dma_wait3A_318 = tpu.memref_squeeze %dma_wait3A_317 : memref<1x128xi32, #tpu.memory_space<vmem>> -> memref<128xi32, #tpu.memory_space<vmem>>
    %dma_wait3A_319 = arith.constant 0 : i32
    %dma_wait3A_320 = arith.constant 0 : i32
    %dma_wait3A_321 = tpu.memref_slice %arg3[%dma_wait3A_319, %dma_wait3A_320] : memref<1000000x128xf32, #tpu.memory_space<hbm>> -> memref<1000000x128xf32, #tpu.memory_space<hbm>>
    tpu.wait_indirect_dma semaphore(%arg8 : memref<!tpu.dma_semaphore, #tpu.memory_space<semaphore_mem>>) src(%dma_wait3A_321 : memref<1000000x128xf32, #tpu.memory_space<hbm>>) dst(%dma_wait3A_315 : memref<128x128xf32, #tpu.memory_space<vmem>>)
    %mul3A_322 = arith.constant 2048 : i32
    %mul3A_323 = arith.muli %arg1, %mul3A_322 : i32
    %add3A_324 = arith.constant 1536 : i32
    %add3A_325 = arith.addi %mul3A_323, %add3A_324 : i32
    "tpu.region"() ({
      %run_scoped3A = tpu.sem_alloc : memref<!tpu.dma_semaphore, #tpu.memory_space<semaphore_mem>>
      %dma_start3A_350 = arith.constant 0 : i32
      %dma_start3A_351 = arith.constant 0 : i32
      %dma_start3A_352 = tpu.memref_slice %arg6[%dma_start3A_350, %dma_start3A_351] : memref<256x128xf32, #tpu.memory_space<vmem>> -> memref<256x64xf32, #tpu.memory_space<vmem>>
      %dma_start3A_353 = arith.constant 0 : i32
      %dma_start3A_354 = tpu.memref_slice %arg4[%add3A_325, %dma_start3A_353] : memref<32768x64xf32, #tpu.memory_space<hbm>> -> memref<256x64xf32, #tpu.memory_space<hbm>>
      %dma_start3A_355 = arith.constant 0 : i32
      %dma_start3A_356 = tpu.memref_slice %arg4[%add3A_325, %dma_start3A_355] : memref<32768x64xf32, #tpu.memory_space<hbm>> -> memref<256x64xf32, #tpu.memory_space<hbm>>
      %dma_start3A_357 = arith.constant 0 : i32
      %dma_start3A_358 = arith.constant 0 : i32
      %dma_start3A_359 = tpu.memref_slice %arg6[%dma_start3A_357, %dma_start3A_358] : memref<256x128xf32, #tpu.memory_space<vmem>> -> memref<256x64xf32, #tpu.memory_space<vmem>>
      tpu.enqueue_dma source(%dma_start3A_359 : memref<256x64xf32, #tpu.memory_space<vmem>>) target(%dma_start3A_356 : memref<256x64xf32, #tpu.memory_space<hbm>>) target_semaphore(%run_scoped3A : memref<!tpu.dma_semaphore, #tpu.memory_space<semaphore_mem>>)
      %dma_wait3A_360 = arith.constant 0 : i32
      %dma_wait3A_361 = arith.constant 0 : i32
      %dma_wait3A_362 = tpu.memref_slice %arg6[%dma_wait3A_360, %dma_wait3A_361] : memref<256x128xf32, #tpu.memory_space<vmem>> -> memref<256x64xf32, #tpu.memory_space<vmem>>
      %dma_wait3A_363 = arith.constant 0 : i32
      %dma_wait3A_364 = tpu.memref_slice %arg4[%add3A_325, %dma_wait3A_363] : memref<32768x64xf32, #tpu.memory_space<hbm>> -> memref<256x64xf32, #tpu.memory_space<hbm>>
      %dma_wait3A_365 = arith.constant 0 : i32
      %dma_wait3A_366 = tpu.memref_slice %arg4[%add3A_325, %dma_wait3A_365] : memref<32768x64xf32, #tpu.memory_space<hbm>> -> memref<256x64xf32, #tpu.memory_space<hbm>>
      %dma_wait3A_367 = arith.constant 0 : i32
      %dma_wait3A_368 = arith.constant 0 : i32
      %dma_wait3A_369 = tpu.memref_slice %arg6[%dma_wait3A_367, %dma_wait3A_368] : memref<256x128xf32, #tpu.memory_space<vmem>> -> memref<256x64xf32, #tpu.memory_space<vmem>>
      tpu.wait_dma2 semaphore(%run_scoped3A : memref<!tpu.dma_semaphore, #tpu.memory_space<semaphore_mem>>) src(%dma_wait3A_369 : memref<256x64xf32, #tpu.memory_space<vmem>>) dst(%dma_wait3A_366 : memref<256x64xf32, #tpu.memory_space<hbm>>)
      tpu.yield
    }) : () -> ()
    %dma_wait3A_326 = arith.constant 14 : i32
    %dma_wait3A_327 = arith.constant 0 : i32
    %dma_wait3A_328 = arith.constant 0 : i32
    %dma_wait3A_329 = tpu.memref_slice %arg7[%dma_wait3A_327, %dma_wait3A_328] : memref<256x128xf32, #tpu.memory_space<vmem>> -> memref<128x128xf32, #tpu.memory_space<vmem>>
    %dma_wait3A_330 = arith.constant 0 : i32
    %dma_wait3A_331 = tpu.memref_slice %arg5[%dma_wait3A_326, %dma_wait3A_330] : memref<16x128xi32, #tpu.memory_space<vmem>> -> memref<1x128xi32, #tpu.memory_space<vmem>>
    %dma_wait3A_332 = tpu.memref_squeeze %dma_wait3A_331 : memref<1x128xi32, #tpu.memory_space<vmem>> -> memref<128xi32, #tpu.memory_space<vmem>>
    %dma_wait3A_333 = arith.constant 0 : i32
    %dma_wait3A_334 = arith.constant 0 : i32
    %dma_wait3A_335 = tpu.memref_slice %arg3[%dma_wait3A_333, %dma_wait3A_334] : memref<1000000x128xf32, #tpu.memory_space<hbm>> -> memref<1000000x128xf32, #tpu.memory_space<hbm>>
    tpu.wait_indirect_dma semaphore(%arg9 : memref<!tpu.dma_semaphore, #tpu.memory_space<semaphore_mem>>) src(%dma_wait3A_335 : memref<1000000x128xf32, #tpu.memory_space<hbm>>) dst(%dma_wait3A_329 : memref<128x128xf32, #tpu.memory_space<vmem>>)
    %dma_wait3A_336 = arith.constant 15 : i32
    %dma_wait3A_337 = arith.constant 128 : i32
    %dma_wait3A_338 = arith.constant 0 : i32
    %dma_wait3A_339 = tpu.memref_slice %arg7[%dma_wait3A_337, %dma_wait3A_338] : memref<256x128xf32, #tpu.memory_space<vmem>> -> memref<128x128xf32, #tpu.memory_space<vmem>>
    %dma_wait3A_340 = arith.constant 0 : i32
    %dma_wait3A_341 = tpu.memref_slice %arg5[%dma_wait3A_336, %dma_wait3A_340] : memref<16x128xi32, #tpu.memory_space<vmem>> -> memref<1x128xi32, #tpu.memory_space<vmem>>
    %dma_wait3A_342 = tpu.memref_squeeze %dma_wait3A_341 : memref<1x128xi32, #tpu.memory_space<vmem>> -> memref<128xi32, #tpu.memory_space<vmem>>
    %dma_wait3A_343 = arith.constant 0 : i32
    %dma_wait3A_344 = arith.constant 0 : i32
    %dma_wait3A_345 = tpu.memref_slice %arg3[%dma_wait3A_343, %dma_wait3A_344] : memref<1000000x128xf32, #tpu.memory_space<hbm>> -> memref<1000000x128xf32, #tpu.memory_space<hbm>>
    tpu.wait_indirect_dma semaphore(%arg9 : memref<!tpu.dma_semaphore, #tpu.memory_space<semaphore_mem>>) src(%dma_wait3A_345 : memref<1000000x128xf32, #tpu.memory_space<hbm>>) dst(%dma_wait3A_339 : memref<128x128xf32, #tpu.memory_space<vmem>>)
    %mul3A_346 = arith.constant 2048 : i32
    %mul3A_347 = arith.muli %arg1, %mul3A_346 : i32
    %add3A_348 = arith.constant 1792 : i32
    %add3A_349 = arith.addi %mul3A_347, %add3A_348 : i32
    "tpu.region"() ({
      %run_scoped3A = tpu.sem_alloc : memref<!tpu.dma_semaphore, #tpu.memory_space<semaphore_mem>>
      %dma_start3A_350 = arith.constant 0 : i32
      %dma_start3A_351 = arith.constant 0 : i32
      %dma_start3A_352 = tpu.memref_slice %arg7[%dma_start3A_350, %dma_start3A_351] : memref<256x128xf32, #tpu.memory_space<vmem>> -> memref<256x64xf32, #tpu.memory_space<vmem>>
      %dma_start3A_353 = arith.constant 0 : i32
      %dma_start3A_354 = tpu.memref_slice %arg4[%add3A_349, %dma_start3A_353] : memref<32768x64xf32, #tpu.memory_space<hbm>> -> memref<256x64xf32, #tpu.memory_space<hbm>>
      %dma_start3A_355 = arith.constant 0 : i32
      %dma_start3A_356 = tpu.memref_slice %arg4[%add3A_349, %dma_start3A_355] : memref<32768x64xf32, #tpu.memory_space<hbm>> -> memref<256x64xf32, #tpu.memory_space<hbm>>
      %dma_start3A_357 = arith.constant 0 : i32
      %dma_start3A_358 = arith.constant 0 : i32
      %dma_start3A_359 = tpu.memref_slice %arg7[%dma_start3A_357, %dma_start3A_358] : memref<256x128xf32, #tpu.memory_space<vmem>> -> memref<256x64xf32, #tpu.memory_space<vmem>>
      tpu.enqueue_dma source(%dma_start3A_359 : memref<256x64xf32, #tpu.memory_space<vmem>>) target(%dma_start3A_356 : memref<256x64xf32, #tpu.memory_space<hbm>>) target_semaphore(%run_scoped3A : memref<!tpu.dma_semaphore, #tpu.memory_space<semaphore_mem>>)
      %dma_wait3A_360 = arith.constant 0 : i32
      %dma_wait3A_361 = arith.constant 0 : i32
      %dma_wait3A_362 = tpu.memref_slice %arg7[%dma_wait3A_360, %dma_wait3A_361] : memref<256x128xf32, #tpu.memory_space<vmem>> -> memref<256x64xf32, #tpu.memory_space<vmem>>
      %dma_wait3A_363 = arith.constant 0 : i32
      %dma_wait3A_364 = tpu.memref_slice %arg4[%add3A_349, %dma_wait3A_363] : memref<32768x64xf32, #tpu.memory_space<hbm>> -> memref<256x64xf32, #tpu.memory_space<hbm>>
      %dma_wait3A_365 = arith.constant 0 : i32
      %dma_wait3A_366 = tpu.memref_slice %arg4[%add3A_349, %dma_wait3A_365] : memref<32768x64xf32, #tpu.memory_space<hbm>> -> memref<256x64xf32, #tpu.memory_space<hbm>>
      %dma_wait3A_367 = arith.constant 0 : i32
      %dma_wait3A_368 = arith.constant 0 : i32
      %dma_wait3A_369 = tpu.memref_slice %arg7[%dma_wait3A_367, %dma_wait3A_368] : memref<256x128xf32, #tpu.memory_space<vmem>> -> memref<256x64xf32, #tpu.memory_space<vmem>>
      tpu.wait_dma2 semaphore(%run_scoped3A : memref<!tpu.dma_semaphore, #tpu.memory_space<semaphore_mem>>) src(%dma_wait3A_369 : memref<256x64xf32, #tpu.memory_space<vmem>>) dst(%dma_wait3A_366 : memref<256x64xf32, #tpu.memory_space<hbm>>)
      tpu.yield
    }) : () -> ()
    return
  }
}

</mosaic_0001>

<sc_bundles>
// kernel: kernel.3.cloned.1.call-start
scs
__scs_entry_jumppad:
0x0: {  	(pc) =	sbr.rel $0x88, $3  }
0x1: {  	(tag) =	ssettag $0x0;
	lr =	simm.s32 $0x1  }
0x2: {  	[smem:$0x3F9E] =	sst lr;
	_ =	strace $0xD0000000  }
0x3: {  	_ = 	snop  }
0x4: {  	_ = 	snop  }
0x5: {  	_ = 	snop  }
0x6: {  	_ = 	snop  }
0x7: {  	_ = 	snop  }
__scs_overlays_trampoline_lowered:
0x8: {  	[smem:$0x3FAD] =	sst s0  }
0x9: {  	[smem:$0x3FAE] =	sst s1  }
0xa: {  	[smem:$0x3FAF] =	sst s2  }
0xb: {  	[smem:$0x3FB0] =	sst s3  }
0xc: {  	[smem:$0x3FB1] =	sst s4  }
0xd: {  	[smem:$0x3FB2] =	sst s5  }
0xe: {  	[smem:$0x3FB3] =	sst s6  }
0xf: {  	[smem:$0x3FB4] =	sst s7  }
0x10: {  	[smem:$0x3FB5] =	sst s8  }
0x11: {  	[smem:$0x3FB6] =	sst s9;
	s0 =	simm.s32 @!p0 $0x0  }
0x12: {  	s1 =	sld [smem:$0x3F9C];
	s0 =	simm.s32 @p0 $0x1  }
0x13: {  	[smem:$0x3FB7] =	sst s0;
	s0 =	simm.s32 @!p1 $0x0  }
0x14: {  	s2 =	sld [smem:$0x3F9B];
	s0 =	simm.s32 @p1 $0x1  }
0x15: {  	[smem:$0x3FB8] =	sst s0;
	s0 =	simm.s32 @!p2 $0x0  }
0x16: {  	s3 =	sld [smem:$0x3FDB];
	s0 =	simm.s32 @p2 $0x1  }
0x17: {  	s4 =	simm.s32 $0x1BF5;
	[smem:$0x3FBA] =	sst s0  }
0x18: {  	s0 =	sld [smem:$0x3F9D];
	_ =	swait.ge [sflag:s4], $0x0  }
0x19: {  	s7 =	sld [smem:$0x3F9E]  }
0x1a: {  	s8 =	sadd.s32 $0xFFFFE003, lr  }
0x1b: {  	s9 =	sadd.s32 $0xFFFFFEF7, lr;
	s5 =	simm.s32 $0xFFFFFFFF;
	p2 =	slt.u32 s8, $0xFFFFF086  }
0x1c: {  	p1 =	slt.u32 s9, $0xF7A;
	s5 =	simm.s32 @!p2 $0x0  }
0x1d: {  	s5 =	simm.s32 @p1 $0x1;
	p0 =	seq.s32 s7, s2  }
0x1e: {  	s7 =	smul.u32 @!p0 $0xF7A, s2;
	p2 =	seq.s32 @!p0 s5, $0x0  }
0x1f: {  	s9 =	smul.u32 $0xF7A, s1;
	s8 =	simm.s32 @!p0 $0x1BF5;
	p2 =	por !p2, p0  }
0x20: {  	[sflag:s8] =	ssyncset.s32 @!p0 $0xFFFFF086;
	s6 =	sadd.s32 @!p0 s3, s7;
	s7 =	simm.s32 @!p0 $0x108  }
0x21: {  	s3 =	sadd.s32 s3, s9;
	s6 =	sadd.s32 @!p0 $0x88, s6;
	s7 =	simm.s32 @p2 $0x1082  }
0x22: {  	[simem:s7], [sflag:s8] =	dma.local @!p0 [hbm:s6], $0xF7A  }
0x23: {  	s9 =	sor.u32 $0xD0000000, s2;
	s6 =	simm.s32 $0x108;
	_ =	swait.ge @!p0 [sflag:s8], $0x0  }
0x24: {  	s3 =	sadd.s32 $0x88, s3;
	s6 =	simm.s32 @!p1 $0x1082;
	[sflag:s4] =	ssyncset.s32 $0xFFFFF086  }
0x25: {  	[simem:s6], [sflag:s4] =	dma.local [hbm:s3], $0xF7A  }
0x26: {  	[smem:$0x3F9E] =	sst s1;
	(tag) =	ssettag s2;
	_ =	strace s9  }
0x27: {  	s1 =	sld [smem:$0x3FAE]  }
0x28: {  	s2 =	sld [smem:$0x3FAF]  }
0x29: {  	s4 =	sld [smem:$0x3FB1]  }
0x2a: {  	p0 =	seq.s32 s5, $0x0;
	s5 =	sld [smem:$0x3FB2]  }
0x2b: {  	s6 =	sld [smem:$0x3FB3]  }
0x2c: {  	s7 =	sld [smem:$0x3FB4]  }
0x2d: {  	s3 =	simm.s32 $0x108;
	s8 =	sld [smem:$0x3FB5]  }
0x2e: {  	s3 =	simm.s32 @!p0 $0x1082;
	s9 =	sld [smem:$0x3FB6]  }
0x2f: {  	lr =	sadd.s32 s0, s3;
	s0 =	sld [smem:$0x3FAD]  }
0x30: {  	s3 =	sld [smem:$0x3FB0]  }
0x31: {  	[smem:$0x3FB9] =	sst s10  }
0x32: {  	s10 =	sld [smem:$0x3FB7];
	_ =	sdelay $0x3  }
0x33: {  	p0 =	seq.s32 s10, $0x1;
	s10 =	sld [smem:$0x3FB9];
	_ =	sdelay $0x3  }
0x34: {  	[smem:$0x3FB9] =	sst s10  }
0x35: {  	s10 =	sld [smem:$0x3FB8];
	_ =	sdelay $0x3  }
0x36: {  	p1 =	seq.s32 s10, $0x1;
	s10 =	sld [smem:$0x3FB9];
	_ =	sdelay $0x3  }
0x37: {  	[smem:$0x3FB9] =	sst s10  }
0x38: {  	s10 =	sld [smem:$0x3FBA]  }
0x39: {  	_ = 	snop;
	(pc) =	sbr.ind lr, $3  }
0x3a: {  	_ = 	snop  }
0x3b: {  	_ = 	snop  }
0x3c: {  	p2 =	seq.s32 s10, $0x1;
	s10 =	sld [smem:$0x3FB9]  }
0x3d: {  	_ =	shalt  }
0x3e: {  	_ =	shalt  }
0x3f: {  	_ =	shalt  }
0x40: {  	_ =	shalt  }
0x41: {  	_ =	shalt  }
0x42: {  	_ =	shalt  }
0x43: {  	_ =	shalt  }
0x44: {  	_ =	shalt  }
0x45: {  	_ =	shalt  }
0x46: {  	_ =	shalt  }
0x47: {  	_ =	shalt  }
0x48: {  	_ =	shalt  }
0x49: {  	_ =	shalt  }
0x4a: {  	_ =	shalt  }
0x4b: {  	_ =	shalt  }
0x4c: {  	_ =	shalt  }
0x4d: {  	_ =	shalt  }
0x4e: {  	_ =	shalt  }
0x4f: {  	_ =	shalt  }
0x50: {  	_ =	shalt  }
0x51: {  	_ =	shalt  }
0x52: {  	_ =	shalt  }
0x53: {  	_ =	shalt  }
0x54: {  	_ =	shalt  }
0x55: {  	_ =	shalt  }
0x56: {  	_ =	shalt  }
0x57: {  	_ =	shalt  }
0x58: {  	_ =	shalt  }
0x59: {  	_ =	shalt  }
0x5a: {  	_ =	shalt  }
0x5b: {  	_ =	shalt  }
0x5c: {  	_ =	shalt  }
0x5d: {  	_ =	shalt  }
0x5e: {  	_ =	shalt  }
0x5f: {  	_ =	shalt  }
0x60: {  	_ =	shalt  }
0x61: {  	_ =	shalt  }
0x62: {  	_ =	shalt  }
0x63: {  	_ =	shalt  }
0x64: {  	_ =	shalt  }
0x65: {  	_ =	shalt  }
0x66: {  	_ =	shalt  }
0x67: {  	_ =	shalt  }
0x68: {  	_ =	shalt  }
0x69: {  	_ =	shalt  }
0x6a: {  	_ =	shalt  }
0x6b: {  	_ =	shalt  }
0x6c: {  	_ =	shalt  }
0x6d: {  	_ =	shalt  }
0x6e: {  	_ =	shalt  }
0x6f: {  	_ =	shalt  }
0x70: {  	_ =	shalt  }
0x71: {  	_ =	shalt  }
0x72: {  	_ =	shalt  }
0x73: {  	_ =	shalt  }
0x74: {  	_ =	shalt  }
0x75: {  	_ =	shalt  }
0x76: {  	_ =	shalt  }
0x77: {  	_ =	shalt  }
0x78: {  	_ =	shalt  }
0x79: {  	_ =	shalt  }
0x7a: {  	_ =	shalt  }
0x7b: {  	_ =	shalt  }
0x7c: {  	_ =	shalt  }
0x7d: {  	_ =	shalt  }
0x7e: {  	_ =	shalt  }
0x7f: {  	_ =	shalt  }
0x80: {  	_ =	shalt  }
0x81: {  	_ =	shalt  }
0x82: {  	_ =	shalt  }
0x83: {  	_ =	shalt  }
0x84: {  	_ =	shalt  }
0x85: {  	_ =	shalt  }
0x86: {  	_ =	shalt  }
0x87: {  	_ =	shalt  }
.Lfunc_end0:
.L_simem_size_0:
called_computation_lowered:
.L_overlay_start_0:
0x88: {  	s0 =	sld [smem:$0x3FD9]  }
0x89: {  	s1 =	sld [smem:$0x3FFE];
	_ =	sdelay $0x3  }
0x8a: {  	s0 =	sadd.s32 s1, s0  }
0x8b: {  	[smem:$0x3FC5] =	sst s0  }
0x8c: {  	_ = 	snop  }
0x8d: {  	s0 =	sld [smem:$0x3FD0];
	(tm) =	ssettm $0x1  }
0x8e: {  	s16 =	sld [smem:$0x3FFB];
	_ =	sdelay $0x3  }
0x8f: {  	_ =	strace s16  }
0x90: {  	s1 =	sld [smem:$0x3FFC];
	_ =	sdelay $0x3  }
0x91: {  	_ =	strace s1  }
0x92: {  	s1 =	sld [smem:$0x3FFD];
	_ =	sdelay $0x3  }
0x93: {  	_ =	strace s1  }
0x94: {  	_ =	strace $0x8FFFFFFF  }
0x95: {  	s17 =	sld [smem:$0x3FDB];
	_ =	sdelay $0x1  }
0x96: {  	s2 =	simm.s32 $_scs_section_size  }
0x97: {  	s3 =	simm.s32 $_size__tile_overlayer_lowered;
	s4 =	simm.s32 $_tile_overlayer_lowered  }
0x98: {  	s20 =	simm.s32 $0x1BFF;
	s19 =	sshll.u32 s4, $0x1;
	s1 =	sadd.s32 s2, s17  }
0x99: {  	s5 =	simm.s32 $0x0;
	s18 =	sshll.u32 s3, $0x1;
	s3 =	sadd.s32 s19, s1  }
0x9a: {  	[timem:s5], [sflag:s20] =	dma.local [hbm:s3], s18  }
0x9b: {  	_ =	swait.ge [sflag:s20], s18  }
0x9c: {  	s2 =	ssub.s32 $0x0, s18;
	[sflag:s20] =	ssyncset.done $0x0  }
0x9d: {  	[sflag:s20] =	ssyncadd.s32 s2;
	_ =	sdelay $0x1  }
0x9e: {  	s21 =	simm.s32 $0x1B8B  }
0x9f: {  	_ =	swait.ge [sflag:s21], $0x1  }
0xa0: {  	[sflag:s21] =	ssyncset.done $0x0  }
0xa1: {  	s23 =	simm.s32 $0x1B8E;
	s22 =	sld [smem:$0x3FFE];
	[sflag:s21] =	ssyncadd.s32 $0xFFFFFFFF  }
0xa2: {  	s24 =	simm.s32 $execute0_lowered;
	[smem:$0x3FD2] =	sst s23  }
0xa3: {  	s3 =	sshll.u32 s24, $0x1;
	_ =	strace $0x80000046;
	[dreg:$0x1] =	wrdreg $0xFFFFFFFF  }
0xa4: {  	s25 =	simm.s32 $_size_execute0_lowered;
	s1 =	sadd.s32 s1, s3;
	[dreg:$0x0] =	wrdreg $0x0  }
0xa5: {  	s3 =	sshll.u32 s25, $0x1;
	[dreg:$0x2] =	wrdreg s1  }
0xa6: {  	[dreg:$0x3] =	wrdreg s3  }
0xa7: {  	[dreg:$0x4] =	wrdreg $0xC0  }
0xa8: {  	_ =	task [dreg:s5], $0x5FFFF  }
0xa9: {  	[dreg:$0x1] =	wrdreg $0xFFFFFFFF  }
0xaa: {  	[dreg:$0x0] =	wrdreg $0x60  }
0xab: {  	[dreg:$0x2] =	wrdreg s22  }
0xac: {  	[dreg:$0x3] =	wrdreg s0  }
0xad: {  	[dreg:$0x4] =	wrdreg $0x9  }
0xae: {  	_ =	task.clear_ibuf [dreg:s5], $0x5FFFF;
	_ =	strace $0x90000046  }
0xaf: {  	s26 =	simm.s32 $0x9;
	_ =	strace $0x80000048  }
0xb0: {  	_ =	swait.ge [sflag:s26], $0x1  }
0xb1: {  	[sflag:s26] =	ssyncadd.s32 $0xFFFFFFFF  }
0xb2: {  	_ =	strace $0x90000048  }
0xb3: {  	_ =	sfence  }
0xb4: {  	s28 =	sld [smem:$0x0];
	_ =	sdelay $0x1  }
0xb5: {  	s29 =	srdreg.scid  }
0xb6: {  	s30 =	sshll.u32 s29, $0xD;
	s31 =	sshrl.u32 s29, $0x2  }
0xb7: {  	s2 =	sand.u32 $0x4000, s30;
	s1 =	sand.u32 $0x1, s29;
	s0 =	sadd.s32 s31, s28  }
0xb8: {  	s1 =	sor.u32 s2, s1;
	s0 =	sshll.u32 s0, $0x11  }
0xb9: {  	s0 =	sor.u32 s0, s1  }
0xba: {  	s0 =	sadd.s32 $0x8F2B, s0  }
0xbb: {  	[sflag:s0] =	ssyncadd.remote.s32 $0x1  }
0xbc: {  	_ =	sfence.sel $0xFFFF  }
0xbd: {  	[dreg:$0x0] =	wrdreg $0xFFFFFFFF;
	(pc) =	sbr.abs _section_cstart, $3  }
0xbe: {  	[dreg:$0x1] =	wrdreg $0xFFFFFFFF  }
0xbf: {  	_ =	task.clear_ibuf [dreg:s5], $0x2FFFF;
	_ =	strace $0x9FFFFFFF  }
0xc0: {  	(tm) =	ssettm $0x7FFFFFFF  }
0xc1: {  	_ =	shalt  }
tec
execute0_lowered:
.L_overlay_start_1:
0x0: {  	(tag) =	ssettag $0x1  }
0x1: {  	s2 =	rddreg [dreg:$0x0]  }
0x2: {  	s3 =	rddreg [dreg:$0x1];
	s1 =	stileid.u32  }
0x3: {  	s0 =	rddreg [dreg:$0x2];
	s4 =	simm.s32 $0x0;
	s5 =	sshll.u32 s1, $0x8  }
0x4: {  	[smem:$0x7FF] =	sst s4;
	s5 =	sadd.s32 s5, s2  }
0x5: {  	s25 =	simm.s32 $0x3;
	_ =	strace $0x80000047;
	s5 =	sadd.s32 $0xF42C00, s5  }
0x6: {  	[tilespmem:s4], [sflag:$0x3] =	stream.linear.gather [hbm4b:s5+s4], $0x800, $0x38;
	[tilespmem:$0x10800] =	vst v63  }
0x7: {  	_ =	swait.ge [sflag:s25], $0x800  }
0x8: {  	s26 =	simm.s32 $0x80;
	[sflag:s25] =	ssyncset.done $0x0  }
0x9: {  	s6 =	simm.s32 $0x800;
	s2 =	sadd.s32 $0xF43C00, s2;
	[sflag:s25] =	ssyncadd.s32 $0xFFFFF800  }
0xa: {  	[tilespmem:s6], [sflag:$0x1] =	stream.indirect.gather [hbm4b:s2+s26], $0x80, s4, s26, $0xb8;
	[tilespmem:$0x10800] =	vst v63  }
0xb: {  	s7 =	simm.s32 $0x4800  }
0xc: {  	[tilespmem:s7], [sflag:$0x1] =	stream.indirect.gather [hbm4b:s2+s26], $0x80, s26, s26, $0xb8;
	[tilespmem:$0x10800] =	vst v63  }
0xd: {  	s28 =	simm.s32 $0x100;
	s8 =	simm.s32 $0x8800  }
0xe: {  	[tilespmem:s8], [sflag:$0x2] =	stream.indirect.gather [hbm4b:s2+s26], $0x80, s28, s26, $0xb8;
	[tilespmem:$0x10800] =	vst v63  }
0xf: {  	s29 =	simm.s32 $0x180;
	s30 =	simm.s32 $0xC800;
	s31 =	simm.s32 $0x1  }
0x10: {  	[tilespmem:s30], [sflag:$0x2] =	stream.indirect.gather [hbm4b:s2+s26], $0x80, s29, s26, $0xb8;
	[tilespmem:$0x10800] =	vst v63  }
0x11: {  	_ =	swait.ge [sflag:s31], $0x4000  }
0x12: {  	[sflag:s31] =	ssyncset.done $0x0  }
0x13: {  	[sflag:s31] =	ssyncadd.s32 $0xFFFFC000  }
0x14: {  	s5 =	sshll.u32 s1, $0xE;
	_ =	swait.ge [sflag:s31], $0x4000  }
0x15: {  	s9 =	simm.s32 $0x880;
	s7 =	sadd.s32 s3, s5;
	[sflag:s31] =	ssyncset.done $0x0  }
0x16: {  	s10 =	sadd.s32 $0x0, s7;
	s8 =	simm.s32 $0x8;
	[sflag:s31] =	ssyncadd.s32 $0xFFFFC000  }
.LBB2_1:
0x17: {  	[hbm4b:s10+s4] =	stream.linear.scatter [tilespmem:s6], [sflag:$0x3], $0x40, $0x38;
	[tilespmem:$0x10800] =	vst v63  }
0x18: {  	s10 =	smov.u32 s8;
	s6 =	smov.u32 s9;
	p0 =	sne.s32 s8, $0x7F8  }
.Ltmp0:
0x19: {  	s8 =	sadd.s32 $0x8, s8;
	(pc) =	sbr.rel @p0 .LBB2_1-.Ltmp0, $2  }
0x1a: {  	_ =	sdelay $0x2  }
0x1b: {  	s9 =	sadd.s32 $0x80, s9;
	s10 =	sadd.s32 s10, s7  }
0x1c: {  	[hbm4b:s10+s4] =	stream.linear.scatter [tilespmem:s6], [sflag:$0x3], $0x40, $0x38;
	[tilespmem:$0x10800] =	vst v63  }
0x1d: {  	s25 =	simm.s32 $0x3  }
0x1e: {  	_ =	swait.ge [sflag:s25], $0x4000  }
0x1f: {  	s26 =	simm.s32 $0x80;
	[sflag:s25] =	ssyncset.done $0x0  }
0x20: {  	s28 =	simm.s32 $0x200;
	s7 =	simm.s32 $0x800;
	[sflag:s25] =	ssyncadd.s32 $0xFFFFC000  }
0x21: {  	[tilespmem:s7], [sflag:$0x1] =	stream.indirect.gather [hbm4b:s2+s26], $0x80, s28, s26, $0xb8;
	[tilespmem:$0x10800] =	vst v63  }
0x22: {  	s29 =	simm.s32 $0x280;
	s30 =	simm.s32 $0x4800;
	s31 =	simm.s32 $0x2  }
0x23: {  	[tilespmem:s30], [sflag:$0x1] =	stream.indirect.gather [hbm4b:s2+s26], $0x80, s29, s26, $0xb8;
	[tilespmem:$0x10800] =	vst v63  }
0x24: {  	_ =	swait.ge [sflag:s31], $0x4000  }
0x25: {  	[sflag:s31] =	ssyncset.done $0x0  }
0x26: {  	s3 =	sadd.s32 s5, s3;
	[sflag:s31] =	ssyncadd.s32 $0xFFFFC000  }
0x27: {  	s5 =	simm.s32 $0x0;
	s6 =	simm.s32 $0x8800;
	_ =	swait.ge [sflag:s31], $0x4000  }
0x28: {  	s8 =	simm.s32 $0x8880;
	s4 =	sadd.s32 $0x800, s3;
	[sflag:s31] =	ssyncset.done $0x0  }
0x29: {  	s9 =	sadd.s32 $0x0, s4;
	s7 =	simm.s32 $0x8;
	[sflag:s31] =	ssyncadd.s32 $0xFFFFC000  }
.LBB2_3:
0x2a: {  	[hbm4b:s9+s5] =	stream.linear.scatter [tilespmem:s6], [sflag:$0x3], $0x40, $0x38;
	[tilespmem:$0x10800] =	vst v63  }
0x2b: {  	s9 =	smov.u32 s7;
	s6 =	smov.u32 s8;
	p0 =	sne.s32 s7, $0x7F8  }
.Ltmp1:
0x2c: {  	s7 =	sadd.s32 $0x8, s7;
	(pc) =	sbr.rel @p0 .LBB2_3-.Ltmp1, $2  }
0x2d: {  	_ =	sdelay $0x2  }
0x2e: {  	s8 =	sadd.s32 $0x80, s8;
	s9 =	sadd.s32 s9, s4  }
0x2f: {  	[hbm4b:s9+s5] =	stream.linear.scatter [tilespmem:s6], [sflag:$0x3], $0x40, $0x38;
	[tilespmem:$0x10800] =	vst v63  }
0x30: {  	s4 =	simm.s32 $0x3  }
0x31: {  	_ =	swait.ge [sflag:s4], $0x4000  }
0x32: {  	s25 =	simm.s32 $0x80;
	[sflag:s4] =	ssyncset.done $0x0  }
0x33: {  	s26 =	simm.s32 $0x300;
	s28 =	simm.s32 $0x8800;
	[sflag:s4] =	ssyncadd.s32 $0xFFFFC000  }
0x34: {  	[tilespmem:s28], [sflag:$0x2] =	stream.indirect.gather [hbm4b:s2+s25], $0x80, s26, s25, $0xb8;
	[tilespmem:$0x10800] =	vst v63  }
0x35: {  	s29 =	simm.s32 $0x380;
	s30 =	simm.s32 $0xC800;
	s31 =	simm.s32 $0x1  }
0x36: {  	[tilespmem:s30], [sflag:$0x2] =	stream.indirect.gather [hbm4b:s2+s25], $0x80, s29, s25, $0xb8;
	[tilespmem:$0x10800] =	vst v63  }
0x37: {  	_ =	swait.ge [sflag:s31], $0x4000  }
0x38: {  	[sflag:s31] =	ssyncset.done $0x0  }
0x39: {  	[sflag:s31] =	ssyncadd.s32 $0xFFFFC000  }
0x3a: {  	s5 =	simm.s32 $0x0;
	s6 =	simm.s32 $0x800;
	_ =	swait.ge [sflag:s31], $0x4000  }
0x3b: {  	s7 =	simm.s32 $0x8;
	s4 =	sadd.s32 $0x1000, s3;
	[sflag:s31] =	ssyncset.done $0x0  }
0x3c: {  	s8 =	simm.s32 $0x880;
	s9 =	sadd.s32 $0x0, s4;
	[sflag:s31] =	ssyncadd.s32 $0xFFFFC000  }
.LBB2_5:
0x3d: {  	[hbm4b:s9+s5] =	stream.linear.scatter [tilespmem:s6], [sflag:$0x3], $0x40, $0x38;
	[tilespmem:$0x10800] =	vst v63  }
0x3e: {  	s9 =	smov.u32 s7;
	s6 =	smov.u32 s8;
	p0 =	sne.s32 s7, $0x7F8  }
.Ltmp2:
0x3f: {  	s7 =	sadd.s32 $0x8, s7;
	(pc) =	sbr.rel @p0 .LBB2_5-.Ltmp2, $2  }
0x40: {  	_ =	sdelay $0x2  }
0x41: {  	s8 =	sadd.s32 $0x80, s8;
	s9 =	sadd.s32 s9, s4  }
0x42: {  	[hbm4b:s9+s5] =	stream.linear.scatter [tilespmem:s6], [sflag:$0x3], $0x40, $0x38;
	[tilespmem:$0x10800] =	vst v63  }
0x43: {  	s4 =	simm.s32 $0x3  }
0x44: {  	_ =	swait.ge [sflag:s4], $0x4000  }
0x45: {  	s25 =	simm.s32 $0x80;
	[sflag:s4] =	ssyncset.done $0x0  }
0x46: {  	s26 =	simm.s32 $0x400;
	s28 =	simm.s32 $0x800;
	[sflag:s4] =	ssyncadd.s32 $0xFFFFC000  }
0x47: {  	[tilespmem:s28], [sflag:$0x1] =	stream.indirect.gather [hbm4b:s2+s25], $0x80, s26, s25, $0xb8;
	[tilespmem:$0x10800] =	vst v63  }
0x48: {  	s29 =	simm.s32 $0x480;
	s30 =	simm.s32 $0x4800;
	s31 =	simm.s32 $0x2  }
0x49: {  	[tilespmem:s30], [sflag:$0x1] =	stream.indirect.gather [hbm4b:s2+s25], $0x80, s29, s25, $0xb8;
	[tilespmem:$0x10800] =	vst v63  }
0x4a: {  	_ =	swait.ge [sflag:s31], $0x4000  }
0x4b: {  	[sflag:s31] =	ssyncset.done $0x0  }
0x4c: {  	[sflag:s31] =	ssyncadd.s32 $0xFFFFC000  }
0x4d: {  	s5 =	simm.s32 $0x0;
	s6 =	simm.s32 $0x8800;
	_ =	swait.ge [sflag:s31], $0x4000  }
0x4e: {  	s7 =	simm.s32 $0x8;
	s4 =	sadd.s32 $0x1800, s3;
	[sflag:s31] =	ssyncset.done $0x0  }
0x4f: {  	s8 =	simm.s32 $0x8880;
	s9 =	sadd.s32 $0x0, s4;
	[sflag:s31] =	ssyncadd.s32 $0xFFFFC000  }
.LBB2_7:
0x50: {  	[hbm4b:s9+s5] =	stream.linear.scatter [tilespmem:s6], [sflag:$0x3], $0x40, $0x38;
	[tilespmem:$0x10800] =	vst v63  }
0x51: {  	s9 =	smov.u32 s7;
	s6 =	smov.u32 s8;
	p0 =	sne.s32 s7, $0x7F8  }
.Ltmp3:
0x52: {  	s7 =	sadd.s32 $0x8, s7;
	(pc) =	sbr.rel @p0 .LBB2_7-.Ltmp3, $2  }
0x53: {  	_ =	sdelay $0x2  }
0x54: {  	s8 =	sadd.s32 $0x80, s8;
	s9 =	sadd.s32 s9, s4  }
0x55: {  	[hbm4b:s9+s5] =	stream.linear.scatter [tilespmem:s6], [sflag:$0x3], $0x40, $0x38;
	[tilespmem:$0x10800] =	vst v63  }
0x56: {  	s4 =	simm.s32 $0x3  }
0x57: {  	_ =	swait.ge [sflag:s4], $0x4000  }
0x58: {  	s25 =	simm.s32 $0x80;
	[sflag:s4] =	ssyncset.done $0x0  }
0x59: {  	s26 =	simm.s32 $0x500;
	s28 =	simm.s32 $0x8800;
	[sflag:s4] =	ssyncadd.s32 $0xFFFFC000  }
0x5a: {  	[tilespmem:s28], [sflag:$0x2] =	stream.indirect.gather [hbm4b:s2+s25], $0x80, s26, s25, $0xb8;
	[tilespmem:$0x10800] =	vst v63  }
0x5b: {  	s29 =	simm.s32 $0x580;
	s30 =	simm.s32 $0xC800;
	s31 =	simm.s32 $0x1  }
0x5c: {  	[tilespmem:s30], [sflag:$0x2] =	stream.indirect.gather [hbm4b:s2+s25], $0x80, s29, s25, $0xb8;
	[tilespmem:$0x10800] =	vst v63  }
0x5d: {  	_ =	swait.ge [sflag:s31], $0x4000  }
0x5e: {  	[sflag:s31] =	ssyncset.done $0x0  }
0x5f: {  	[sflag:s31] =	ssyncadd.s32 $0xFFFFC000  }
0x60: {  	s5 =	simm.s32 $0x0;
	s6 =	simm.s32 $0x800;
	_ =	swait.ge [sflag:s31], $0x4000  }
0x61: {  	s7 =	simm.s32 $0x8;
	s4 =	sadd.s32 $0x2000, s3;
	[sflag:s31] =	ssyncset.done $0x0  }
0x62: {  	s8 =	simm.s32 $0x880;
	s9 =	sadd.s32 $0x0, s4;
	[sflag:s31] =	ssyncadd.s32 $0xFFFFC000  }
.LBB2_9:
0x63: {  	[hbm4b:s9+s5] =	stream.linear.scatter [tilespmem:s6], [sflag:$0x3], $0x40, $0x38;
	[tilespmem:$0x10800] =	vst v63  }
0x64: {  	s9 =	smov.u32 s7;
	s6 =	smov.u32 s8;
	p0 =	sne.s32 s7, $0x7F8  }
.Ltmp4:
0x65: {  	s7 =	sadd.s32 $0x8, s7;
	(pc) =	sbr.rel @p0 .LBB2_9-.Ltmp4, $2  }
0x66: {  	_ =	sdelay $0x2  }
0x67: {  	s8 =	sadd.s32 $0x80, s8;
	s9 =	sadd.s32 s9, s4  }
0x68: {  	[hbm4b:s9+s5] =	stream.linear.scatter [tilespmem:s6], [sflag:$0x3], $0x40, $0x38;
	[tilespmem:$0x10800] =	vst v63  }
0x69: {  	s4 =	simm.s32 $0x3  }
0x6a: {  	_ =	swait.ge [sflag:s4], $0x4000  }
0x6b: {  	s25 =	simm.s32 $0x80;
	[sflag:s4] =	ssyncset.done $0x0  }
0x6c: {  	s26 =	simm.s32 $0x600;
	s28 =	simm.s32 $0x800;
	[sflag:s4] =	ssyncadd.s32 $0xFFFFC000  }
0x6d: {  	[tilespmem:s28], [sflag:$0x1] =	stream.indirect.gather [hbm4b:s2+s25], $0x80, s26, s25, $0xb8;
	[tilespmem:$0x10800] =	vst v63  }
0x6e: {  	s29 =	simm.s32 $0x680;
	s30 =	simm.s32 $0x4800;
	s31 =	simm.s32 $0x2  }
0x6f: {  	[tilespmem:s30], [sflag:$0x1] =	stream.indirect.gather [hbm4b:s2+s25], $0x80, s29, s25, $0xb8;
	[tilespmem:$0x10800] =	vst v63  }
0x70: {  	_ =	swait.ge [sflag:s31], $0x4000  }
0x71: {  	[sflag:s31] =	ssyncset.done $0x0  }
0x72: {  	[sflag:s31] =	ssyncadd.s32 $0xFFFFC000  }
0x73: {  	s5 =	simm.s32 $0x0;
	s6 =	simm.s32 $0x8800;
	_ =	swait.ge [sflag:s31], $0x4000  }
0x74: {  	s7 =	simm.s32 $0x8;
	s4 =	sadd.s32 $0x2800, s3;
	[sflag:s31] =	ssyncset.done $0x0  }
0x75: {  	s8 =	simm.s32 $0x8880;
	s9 =	sadd.s32 $0x0, s4;
	[sflag:s31] =	ssyncadd.s32 $0xFFFFC000  }
.LBB2_11:
0x76: {  	[hbm4b:s9+s5] =	stream.linear.scatter [tilespmem:s6], [sflag:$0x3], $0x40, $0x38;
	[tilespmem:$0x10800] =	vst v63  }
0x77: {  	s9 =	smov.u32 s7;
	s6 =	smov.u32 s8;
	p0 =	sne.s32 s7, $0x7F8  }
.Ltmp5:
0x78: {  	s7 =	sadd.s32 $0x8, s7;
	(pc) =	sbr.rel @p0 .LBB2_11-.Ltmp5, $2  }
0x79: {  	_ =	sdelay $0x2  }
0x7a: {  	s8 =	sadd.s32 $0x80, s8;
	s9 =	sadd.s32 s9, s4  }
0x7b: {  	[hbm4b:s9+s5] =	stream.linear.scatter [tilespmem:s6], [sflag:$0x3], $0x40, $0x38;
	[tilespmem:$0x10800] =	vst v63  }
0x7c: {  	s4 =	simm.s32 $0x3  }
0x7d: {  	_ =	swait.ge [sflag:s4], $0x4000  }
0x7e: {  	s25 =	simm.s32 $0x80;
	[sflag:s4] =	ssyncset.done $0x0  }
0x7f: {  	s26 =	simm.s32 $0x700;
	s28 =	simm.s32 $0x8800;
	[sflag:s4] =	ssyncadd.s32 $0xFFFFC000  }
0x80: {  	[tilespmem:s28], [sflag:$0x2] =	stream.indirect.gather [hbm4b:s2+s25], $0x80, s26, s25, $0xb8;
	[tilespmem:$0x10800] =	vst v63  }
0x81: {  	s29 =	simm.s32 $0x780;
	s30 =	simm.s32 $0xC800;
	s31 =	simm.s32 $0x1  }
0x82: {  	[tilespmem:s30], [sflag:$0x2] =	stream.indirect.gather [hbm4b:s2+s25], $0x80, s29, s25, $0xb8;
	[tilespmem:$0x10800] =	vst v63  }
0x83: {  	_ =	swait.ge [sflag:s31], $0x4000  }
0x84: {  	[sflag:s31] =	ssyncset.done $0x0  }
0x85: {  	[sflag:s31] =	ssyncadd.s32 $0xFFFFC000  }
0x86: {  	s5 =	simm.s32 $0x800;
	s6 =	simm.s32 $0x8;
	_ =	swait.ge [sflag:s31], $0x4000  }
0x87: {  	s7 =	simm.s32 $0x880;
	s2 =	sadd.s32 $0x3000, s3;
	[sflag:s31] =	ssyncset.done $0x0  }
0x88: {  	s4 =	simm.s32 $0x0;
	s8 =	sadd.s32 $0x0, s2;
	[sflag:s31] =	ssyncadd.s32 $0xFFFFC000  }
.LBB2_13:
0x89: {  	[hbm4b:s8+s4] =	stream.linear.scatter [tilespmem:s5], [sflag:$0x3], $0x40, $0x38;
	[tilespmem:$0x10800] =	vst v63  }
0x8a: {  	s8 =	smov.u32 s6;
	s5 =	smov.u32 s7;
	p0 =	sne.s32 s6, $0x7F8  }
.Ltmp6:
0x8b: {  	s6 =	sadd.s32 $0x8, s6;
	(pc) =	sbr.rel @p0 .LBB2_13-.Ltmp6, $2  }
0x8c: {  	_ =	sdelay $0x2  }
0x8d: {  	s7 =	sadd.s32 $0x80, s7;
	s8 =	sadd.s32 s8, s2  }
0x8e: {  	[hbm4b:s8+s4] =	stream.linear.scatter [tilespmem:s5], [sflag:$0x3], $0x40, $0x38;
	[tilespmem:$0x10800] =	vst v63  }
0x8f: {  	s2 =	simm.s32 $0x3  }
0x90: {  	_ =	swait.ge [sflag:s2], $0x4000  }
0x91: {  	[sflag:s2] =	ssyncset.done $0x0  }
0x92: {  	s31 =	simm.s32 $0x2;
	[sflag:s2] =	ssyncadd.s32 $0xFFFFC000  }
0x93: {  	_ =	swait.ge [sflag:s31], $0x4000  }
0x94: {  	[sflag:s31] =	ssyncset.done $0x0  }
0x95: {  	[sflag:s31] =	ssyncadd.s32 $0xFFFFC000  }
0x96: {  	s4 =	simm.s32 $0x8800;
	s5 =	simm.s32 $0x8;
	_ =	swait.ge [sflag:s31], $0x4000  }
0x97: {  	s6 =	simm.s32 $0x8880;
	s2 =	sadd.s32 $0x3800, s3;
	[sflag:s31] =	ssyncset.done $0x0  }
0x98: {  	s3 =	simm.s32 $0x0;
	s7 =	sadd.s32 $0x0, s2;
	[sflag:s31] =	ssyncadd.s32 $0xFFFFC000  }
.LBB2_15:
0x99: {  	[hbm4b:s7+s3] =	stream.linear.scatter [tilespmem:s4], [sflag:$0x3], $0x40, $0x38;
	[tilespmem:$0x10800] =	vst v63  }
0x9a: {  	s7 =	smov.u32 s5;
	s4 =	smov.u32 s6;
	p0 =	sne.s32 s5, $0x7F8  }
.Ltmp7:
0x9b: {  	s5 =	sadd.s32 $0x8, s5;
	(pc) =	sbr.rel @p0 .LBB2_15-.Ltmp7, $2  }
0x9c: {  	_ =	sdelay $0x2  }
0x9d: {  	s6 =	sadd.s32 $0x80, s6;
	s7 =	sadd.s32 s7, s2  }
0x9e: {  	[hbm4b:s7+s3] =	stream.linear.scatter [tilespmem:s4], [sflag:$0x3], $0x40, $0x38;
	[tilespmem:$0x10800] =	vst v63  }
0x9f: {  	s2 =	simm.s32 $0x3  }
0xa0: {  	_ =	swait.ge [sflag:s2], $0x4000  }
0xa1: {  	[sflag:s2] =	ssyncset.done $0x0  }
0xa2: {  	[sflag:s2] =	ssyncadd.s32 $0xFFFFC000  }
0xa3: {  	_ =	sfence.sel $0x180000  }
0xa4: {  	[bflag:$0x0] =	sbarrier.arrive $0xFFFF  }
0xa5: {  	p0 =	sne.s32 s1, $0x0;
	_ =	strace $0x90000047  }
0xa6: {  	s0 =	sadd.s32 @!p0 $0x100000, s0;
	[bflag:$0x2] =	sbarrier.arrive $0xFFFF  }
0xa7: {  	[sflag:s0] =	ssyncadd.tile.s32 @!p0 $0x1;
	_ =	shalt  }
.Lfunc_end2:
_tile_overlayer_lowered:
.L_overlay_start_2:
0xa8: {  	(tag) =	ssettag $0x2  }
0xa9: {  	s0 =	rddreg [dreg:$0x0];
	s2 =	stileid.u32  }
0xaa: {  	s1 =	rddreg [dreg:$0x1];
	p0 =	sne.s32 s2, $0x0  }
0xab: {  	s3 =	rddreg [dreg:$0x2];
	[bflag:$0x3] =	sbarrier.arrive $0xFFFF;
	s2 =	simm.s32 @!p0 $0x1C03  }
0xac: {  	[timem:s3], [sflag:s2] =	dma.local @!p0 [hbm:s0], s1  }
0xad: {  	s0 =	simm.s32 @!p0 $0x3  }
0xae: {  	_ =	swait.ge @!p0 [sflag:s0], s1  }
0xaf: {  	s1 =	ssub.s32 @!p0 $0x0, s1;
	[sflag:s0] =	ssyncset.done @!p0 $0x0  }
0xb0: {  	[sflag:s0] =	ssyncadd.s32 @!p0 s1  }
0xb1: {  	[bflag:$0x3] =	sbarrier.arrive $0xFFFF  }
0xb2: {  	_ =	shalt  }

</sc_bundles>
